<compile_context>
chip_gen: v7x
topology: tpu7x:2x2x1
jax: 0.10.2.dev20260603
libtpu: 0.0.44.dev20260713+nightly
codegen_flags: <defaults>
</compile_context>

<pallas_src>
import functools

import jax
import jax.numpy as jnp
from jax import lax
from jax.experimental import pallas as pl
from jax.experimental.pallas import tpu as pltpu
from jax.experimental.pallas import tpu_sc as plsc

N = 100000
D = 128
G = 1024
DG = 64
DOUT = 2 * D + DG
CHUNK = 128
NFULL = N // CHUNK
TAIL = N - NFULL * CHUNK
NSUB = 16
ITERS = -(-NFULL // NSUB)
GROWS = G // NSUB


def _segment_sum_body(sid, feats, ids, out, col0, acc,
                      rows_a, rows_b, idx_a, idx_b, sem_a, sem_b,
                      rows_t, idx_t):
    slot_a = (rows_a, idx_a, sem_a)
    slot_b = (rows_b, idx_b, sem_b)

    def issue(slot, c):
        rows, idx, sem = slot
        off = c * CHUNK
        pltpu.async_copy(feats.at[pl.ds(off, CHUNK)], rows, sem)
        pltpu.async_copy(ids.at[pl.ds(off, CHUNK)], idx, sem)

    def drain(slot, c):
        rows, idx, sem = slot
        off = c * CHUNK
        pltpu.make_async_copy(feats.at[pl.ds(off, CHUNK)], rows, sem).wait()
        pltpu.make_async_copy(ids.at[pl.ds(off, CHUNK)], idx, sem).wait()

    issue(slot_a, sid)

    def zero_row(r, _):
        for j in range(D // 16):
            rows_t[r, pl.ds(j * 16, 16)] = jnp.zeros((16,), jnp.float32)
        return _

    lax.fori_loop(0, TAIL, zero_row, None)
    for r in range(0, GROWS, TAIL):
        pltpu.sync_copy(rows_t, acc.at[pl.ds(sid * GROWS + r, TAIL)])
    plsc.subcore_barrier()

    def step(i, cur, nxt):
        c = sid + i * NSUB
        cn = c + NSUB

        @pl.when(c < NFULL)
        def _():
            drain(cur, c)

        @pl.when(cn < NFULL)
        def _():
            issue(nxt, cn)

        @pl.when(c < NFULL)
        def _():
            pltpu.sync_copy(cur[0], acc.at[cur[1]], add=True)

    def body2(i2, _):
        step(i2 * 2, slot_a, slot_b)
        step(i2 * 2 + 1, slot_b, slot_a)
        return _

    lax.fori_loop(0, (ITERS + 1) // 2, body2, None)

    @pl.when(sid == NSUB - 1)
    def _():
        off = NFULL * CHUNK
        pltpu.sync_copy(feats.at[pl.ds(off, TAIL)], rows_t)
        pltpu.sync_copy(ids.at[pl.ds(off, TAIL)], idx_t)
        pltpu.sync_copy(rows_t, acc.at[idx_t], add=True)

    plsc.subcore_barrier()
    pltpu.sync_copy(acc.at[pl.ds(sid * GROWS, GROWS)],
                    out.at[pl.ds(sid * GROWS, GROWS), pl.ds(col0, D)])


@functools.partial(
    pl.kernel,
    out_type=jax.ShapeDtypeStruct((G, DOUT), jnp.float32),
    mesh=plsc.VectorSubcoreMesh(
        core_axis_name="c", subcore_axis_name="s", num_cores=2, num_subcores=NSUB
    ),
    scratch_types=(
        pltpu.VMEM_SHARED((G, D), jnp.float32),
        pltpu.VMEM((CHUNK, D), jnp.float32),
        pltpu.VMEM((CHUNK, D), jnp.float32),
        pltpu.VMEM((CHUNK,), jnp.int32),
        pltpu.VMEM((CHUNK,), jnp.int32),
        pltpu.SemaphoreType.DMA,
        pltpu.SemaphoreType.DMA,
        pltpu.VMEM((TAIL, D), jnp.float32),
        pltpu.VMEM((TAIL,), jnp.int32),
        pltpu.VMEM((GROWS, DG), jnp.float32),
    ),
)
def _pooled(atom_hbm, aids_hbm, bond_hbm, bids_hbm, glob_hbm, out,
            acc, rows_a, rows_b, idx_a, idx_b, sem_a, sem_b, rows_t, idx_t,
            gstage):
    cid = lax.axis_index("c")
    sid = lax.axis_index("s")

    @pl.when(cid == 0)
    def _():
        _segment_sum_body(sid, atom_hbm, aids_hbm, out, 0, acc,
                          rows_a, rows_b, idx_a, idx_b, sem_a, sem_b,
                          rows_t, idx_t)
        pltpu.sync_copy(glob_hbm.at[pl.ds(sid * GROWS, GROWS)], gstage)
        pltpu.sync_copy(gstage,
                        out.at[pl.ds(sid * GROWS, GROWS), pl.ds(2 * D, DG)])

    @pl.when(cid == 1)
    def _():
        _segment_sum_body(sid, bond_hbm, bids_hbm, out, D, acc,
                          rows_a, rows_b, idx_a, idx_b, sem_a, sem_b,
                          rows_t, idx_t)


def kernel(atom_feats, bond_feats, global_feats, atom_segment_ids, bond_segment_ids):
    return _pooled(atom_feats, atom_segment_ids, bond_feats, bond_segment_ids,
                   global_feats)

# --- scband reference (transcript-rebuilt; emitter-appended) ---
"""Pipeline reference for scband-sum-pooling-then-cat-17875653886193 (READ-ONLY COPY).

The authoritative reference and input builder live on the scoring server;
editing this copy changes nothing except your own understanding.
"""

import jax, jax.numpy as jnp
import numpy as np

NUM_GRAPHS = 1024
N_ATOM = 100000
N_BOND = 100000
D_ATOM = 128
D_BOND = 128
D_GLOBAL = 64


def setup_inputs(seed: int = 0) -> dict:
    key = jax.random.key(seed)
    k1, k2, k3, k4, k5 = jax.random.split(key, 5)
    atom_feats = jax.random.normal(k1, (N_ATOM, D_ATOM), dtype=jnp.float32)
    bond_feats = jax.random.normal(k2, (N_BOND, D_BOND), dtype=jnp.float32)
    global_feats = jax.random.normal(k3, (NUM_GRAPHS, D_GLOBAL), dtype=jnp.float32)
    atom_segment_ids = jnp.sort(jax.random.randint(k4, (N_ATOM,), 0, NUM_GRAPHS, dtype=jnp.int32))
    bond_segment_ids = jnp.sort(jax.random.randint(k5, (N_BOND,), 0, NUM_GRAPHS, dtype=jnp.int32))
    return {
        "atom_feats": atom_feats,
        "bond_feats": bond_feats,
        "global_feats": global_feats,
        "atom_segment_ids": atom_segment_ids,
        "bond_segment_ids": bond_segment_ids,
    }


def reference(atom_feats, bond_feats, global_feats, atom_segment_ids, bond_segment_ids):
    # dgl.readout_nodes(graph, 'h', ntype=ntype, op='sum') == per-graph segment sum
    atom_pool = jax.ops.segment_sum(atom_feats, atom_segment_ids, num_segments=NUM_GRAPHS)
    bond_pool = jax.ops.segment_sum(bond_feats, bond_segment_ids, num_segments=NUM_GRAPHS)
    # ntypes_direct_cat = ['global'] -> concatenated directly without pooling
    return jnp.concatenate([atom_pool, bond_pool, global_feats], axis=-1)

if __name__ == "__main__":
    import jax
    _d = setup_inputs()
    print(jax.jit(kernel)(*tuple(_d.values())))

</pallas_src>

<mosaic_0001>
#map = affine_map<(d0, d1) -> (0, 0)>
#map1 = affine_map<(d0, d1) -> (0)>
module attributes {stable_mosaic.version = 14 : i64} {
  func.func @_pooled(%arg0: i32, %arg1: i32, %arg2: memref<100000x128xf32, #tpu.memory_space<hbm>>, %arg3: memref<100000xi32, #tpu.memory_space<hbm>>, %arg4: memref<100000x128xf32, #tpu.memory_space<hbm>>, %arg5: memref<100000xi32, #tpu.memory_space<hbm>>, %arg6: memref<1024x64xf32, #tpu.memory_space<hbm>>, %arg7: memref<1024x320xf32, #tpu.memory_space<hbm>>, %arg8: memref<1024x128xf32, #tpu.memory_space<vmem_shared>>, %arg9: memref<128x128xf32, #tpu.memory_space<vmem>>, %arg10: memref<128x128xf32, #tpu.memory_space<vmem>>, %arg11: memref<128xi32, #tpu.memory_space<vmem>>, %arg12: memref<128xi32, #tpu.memory_space<vmem>>, %arg13: memref<!tpu.dma_semaphore, #tpu.memory_space<semaphore_mem>>, %arg14: memref<!tpu.dma_semaphore, #tpu.memory_space<semaphore_mem>>, %arg15: memref<32x128xf32, #tpu.memory_space<vmem>>, %arg16: memref<32xi32, #tpu.memory_space<vmem>>, %arg17: memref<64x64xf32, #tpu.memory_space<vmem>>) attributes {dimension_semantics = [#tpu.dimension_semantics<core_parallel>, #tpu.dimension_semantics<subcore_parallel>], iteration_bounds = array<i64: 2, 16>, scalar_prefetch = 0 : i64, scratch_operands = 10 : i64, tpu.core_type = #tpu.core_type<sc_vector_subcore>, window_params = [{transform_indices = #map}, {transform_indices = #map1}, {transform_indices = #map}, {transform_indices = #map1}, {transform_indices = #map}, {transform_indices = #map}]} {
    %eq3A = arith.constant 0 : i32
    %eq3A_0 = arith.cmpi eq, %arg0, %eq3A : i32
    %convert_element_type3A = arith.extui %eq3A_0 : i1 to i32
    %cond3A = arith.constant 0 : i32
    %cond3A_1 = arith.cmpi ne, %convert_element_type3A, %cond3A : i32
    scf.if %cond3A_1 {
      %mul3A = arith.constant 128 : i32
      %mul3A_7 = arith.muli %arg1, %mul3A : i32
      %dma_start3A = arith.constant 0 : i32
      %dma_start3A_8 = tpu.memref_slice %arg2[%mul3A_7, %dma_start3A] : memref<100000x128xf32, #tpu.memory_space<hbm>> -> memref<128x128xf32, #tpu.memory_space<hbm>>
      %dma_start3A_9 = arith.constant 0 : i32
      %dma_start3A_10 = tpu.memref_slice %arg2[%mul3A_7, %dma_start3A_9] : memref<100000x128xf32, #tpu.memory_space<hbm>> -> memref<128x128xf32, #tpu.memory_space<hbm>>
      tpu.enqueue_dma source(%dma_start3A_10 : memref<128x128xf32, #tpu.memory_space<hbm>>) target(%arg9 : memref<128x128xf32, #tpu.memory_space<vmem>>) target_semaphore(%arg13 : memref<!tpu.dma_semaphore, #tpu.memory_space<semaphore_mem>>)
      %dma_start3A_11 = tpu.memref_slice %arg3[%mul3A_7] : memref<100000xi32, #tpu.memory_space<hbm>> -> memref<128xi32, #tpu.memory_space<hbm>>
      %dma_start3A_12 = tpu.memref_slice %arg3[%mul3A_7] : memref<100000xi32, #tpu.memory_space<hbm>> -> memref<128xi32, #tpu.memory_space<hbm>>
      tpu.enqueue_dma source(%dma_start3A_12 : memref<128xi32, #tpu.memory_space<hbm>>) target(%arg11 : memref<128xi32, #tpu.memory_space<vmem>>) target_semaphore(%arg13 : memref<!tpu.dma_semaphore, #tpu.memory_space<semaphore_mem>>)
      %scan3A = arith.constant 0 : i32
      %scan3A_13 = arith.constant 32 : i32
      %scan3A_14 = arith.addi %scan3A, %scan3A_13 : i32
      %scan3A_15 = arith.constant 1 : i32
      scf.for %scan3A_43 = %scan3A to %scan3A_14 step %scan3A_15  : i32 {
        %broadcast_in_dim3A = arith.constant 0.000000e+00 : f32
        %broadcast_in_dim3A_44 = vector.broadcast %broadcast_in_dim3A : f32 to vector<16xf32>
        %swap3A = arith.index_cast %scan3A_43 : i32 to index
        %swap3A_45 = arith.constant 0 : index
        %swap3A_46 = tpu.vector_load %arg15[%swap3A, %swap3A_45] {strides = array<i32>} : memref<32x128xf32, #tpu.memory_space<vmem>>, vector<1x16xf32>,
        %swap3A_47 = vector.shape_cast %swap3A_46 : vector<1x16xf32> to vector<16xf32>
        %swap3A_48 = vector.shape_cast %broadcast_in_dim3A_44 : vector<16xf32> to vector<1x16xf32>
        tpu.vector_store %arg15[%swap3A, %swap3A_45], %swap3A_48 {strides = array<i32>} : memref<32x128xf32, #tpu.memory_space<vmem>>, vector<1x16xf32>,
        %broadcast_in_dim3A_49 = arith.constant 0.000000e+00 : f32
        %broadcast_in_dim3A_50 = vector.broadcast %broadcast_in_dim3A_49 : f32 to vector<16xf32>
        %swap3A_51 = arith.index_cast %scan3A_43 : i32 to index
        %swap3A_52 = arith.constant 16 : index
        %swap3A_53 = tpu.vector_load %arg15[%swap3A_51, %swap3A_52] {strides = array<i32>} : memref<32x128xf32, #tpu.memory_space<vmem>>, vector<1x16xf32>,
        %swap3A_54 = vector.shape_cast %swap3A_53 : vector<1x16xf32> to vector<16xf32>
        %swap3A_55 = vector.shape_cast %broadcast_in_dim3A_50 : vector<16xf32> to vector<1x16xf32>
        tpu.vector_store %arg15[%swap3A_51, %swap3A_52], %swap3A_55 {strides = array<i32>} : memref<32x128xf32, #tpu.memory_space<vmem>>, vector<1x16xf32>,
        %broadcast_in_dim3A_56 = arith.constant 0.000000e+00 : f32
        %broadcast_in_dim3A_57 = vector.broadcast %broadcast_in_dim3A_56 : f32 to vector<16xf32>
        %swap3A_58 = arith.index_cast %scan3A_43 : i32 to index
        %swap3A_59 = arith.constant 32 : index
        %swap3A_60 = tpu.vector_load %arg15[%swap3A_58, %swap3A_59] {strides = array<i32>} : memref<32x128xf32, #tpu.memory_space<vmem>>, vector<1x16xf32>,
        %swap3A_61 = vector.shape_cast %swap3A_60 : vector<1x16xf32> to vector<16xf32>
        %swap3A_62 = vector.shape_cast %broadcast_in_dim3A_57 : vector<16xf32> to vector<1x16xf32>
        tpu.vector_store %arg15[%swap3A_58, %swap3A_59], %swap3A_62 {strides = array<i32>} : memref<32x128xf32, #tpu.memory_space<vmem>>, vector<1x16xf32>,
        %broadcast_in_dim3A_63 = arith.constant 0.000000e+00 : f32
        %broadcast_in_dim3A_64 = vector.broadcast %broadcast_in_dim3A_63 : f32 to vector<16xf32>
        %swap3A_65 = arith.index_cast %scan3A_43 : i32 to index
        %swap3A_66 = arith.constant 48 : index
        %swap3A_67 = tpu.vector_load %arg15[%swap3A_65, %swap3A_66] {strides = array<i32>} : memref<32x128xf32, #tpu.memory_space<vmem>>, vector<1x16xf32>,
        %swap3A_68 = vector.shape_cast %swap3A_67 : vector<1x16xf32> to vector<16xf32>
        %swap3A_69 = vector.shape_cast %broadcast_in_dim3A_64 : vector<16xf32> to vector<1x16xf32>
        tpu.vector_store %arg15[%swap3A_65, %swap3A_66], %swap3A_69 {strides = array<i32>} : memref<32x128xf32, #tpu.memory_space<vmem>>, vector<1x16xf32>,
        %broadcast_in_dim3A_70 = arith.constant 0.000000e+00 : f32
        %broadcast_in_dim3A_71 = vector.broadcast %broadcast_in_dim3A_70 : f32 to vector<16xf32>
        %swap3A_72 = arith.index_cast %scan3A_43 : i32 to index
        %swap3A_73 = arith.constant 64 : index
        %swap3A_74 = tpu.vector_load %arg15[%swap3A_72, %swap3A_73] {strides = array<i32>} : memref<32x128xf32, #tpu.memory_space<vmem>>, vector<1x16xf32>,
        %swap3A_75 = vector.shape_cast %swap3A_74 : vector<1x16xf32> to vector<16xf32>
        %swap3A_76 = vector.shape_cast %broadcast_in_dim3A_71 : vector<16xf32> to vector<1x16xf32>
        tpu.vector_store %arg15[%swap3A_72, %swap3A_73], %swap3A_76 {strides = array<i32>} : memref<32x128xf32, #tpu.memory_space<vmem>>, vector<1x16xf32>,
        %broadcast_in_dim3A_77 = arith.constant 0.000000e+00 : f32
        %broadcast_in_dim3A_78 = vector.broadcast %broadcast_in_dim3A_77 : f32 to vector<16xf32>
        %swap3A_79 = arith.index_cast %scan3A_43 : i32 to index
        %swap3A_80 = arith.constant 80 : index
        %swap3A_81 = tpu.vector_load %arg15[%swap3A_79, %swap3A_80] {strides = array<i32>} : memref<32x128xf32, #tpu.memory_space<vmem>>, vector<1x16xf32>,
        %swap3A_82 = vector.shape_cast %swap3A_81 : vector<1x16xf32> to vector<16xf32>
        %swap3A_83 = vector.shape_cast %broadcast_in_dim3A_78 : vector<16xf32> to vector<1x16xf32>
        tpu.vector_store %arg15[%swap3A_79, %swap3A_80], %swap3A_83 {strides = array<i32>} : memref<32x128xf32, #tpu.memory_space<vmem>>, vector<1x16xf32>,
        %broadcast_in_dim3A_84 = arith.constant 0.000000e+00 : f32
        %broadcast_in_dim3A_85 = vector.broadcast %broadcast_in_dim3A_84 : f32 to vector<16xf32>
        %swap3A_86 = arith.index_cast %scan3A_43 : i32 to index
        %swap3A_87 = arith.constant 96 : index
        %swap3A_88 = tpu.vector_load %arg15[%swap3A_86, %swap3A_87] {strides = array<i32>} : memref<32x128xf32, #tpu.memory_space<vmem>>, vector<1x16xf32>,
        %swap3A_89 = vector.shape_cast %swap3A_88 : vector<1x16xf32> to vector<16xf32>
        %swap3A_90 = vector.shape_cast %broadcast_in_dim3A_85 : vector<16xf32> to vector<1x16xf32>
        tpu.vector_store %arg15[%swap3A_86, %swap3A_87], %swap3A_90 {strides = array<i32>} : memref<32x128xf32, #tpu.memory_space<vmem>>, vector<1x16xf32>,
        %broadcast_in_dim3A_91 = arith.constant 0.000000e+00 : f32
        %broadcast_in_dim3A_92 = vector.broadcast %broadcast_in_dim3A_91 : f32 to vector<16xf32>
        %swap3A_93 = arith.index_cast %scan3A_43 : i32 to index
        %swap3A_94 = arith.constant 112 : index
        %swap3A_95 = tpu.vector_load %arg15[%swap3A_93, %swap3A_94] {strides = array<i32>} : memref<32x128xf32, #tpu.memory_space<vmem>>, vector<1x16xf32>,
        %swap3A_96 = vector.shape_cast %swap3A_95 : vector<1x16xf32> to vector<16xf32>
        %swap3A_97 = vector.shape_cast %broadcast_in_dim3A_92 : vector<16xf32> to vector<1x16xf32>
        tpu.vector_store %arg15[%swap3A_93, %swap3A_94], %swap3A_97 {strides = array<i32>} : memref<32x128xf32, #tpu.memory_space<vmem>>, vector<1x16xf32>,
      }
      %scan3A_16 = arith.constant 32 : i32
      %mul3A_17 = arith.constant 64 : i32
      %mul3A_18 = arith.muli %arg1, %mul3A_17 : i32
      %add3A = arith.constant 0 : i32
      %add3A_19 = arith.addi %mul3A_18, %add3A : i32
      "tpu.region"() ({
        %run_scoped3A = tpu.sem_alloc : memref<!tpu.dma_semaphore, #tpu.memory_space<semaphore_mem>>
        %dma_start3A_43 = arith.constant 0 : i32
        %dma_start3A_44 = tpu.memref_slice %arg8[%add3A_19, %dma_start3A_43] : memref<1024x128xf32, #tpu.memory_space<vmem_shared>> -> memref<32x128xf32, #tpu.memory_space<vmem_shared>>
        %dma_start3A_45 = arith.constant 0 : i32
        %dma_start3A_46 = tpu.memref_slice %arg8[%add3A_19, %dma_start3A_45] : memref<1024x128xf32, #tpu.memory_space<vmem_shared>> -> memref<32x128xf32, #tpu.memory_space<vmem_shared>>
        tpu.enqueue_dma source(%arg15 : memref<32x128xf32, #tpu.memory_space<vmem>>) target(%dma_start3A_46 : memref<32x128xf32, #tpu.memory_space<vmem_shared>>) target_semaphore(%run_scoped3A : memref<!tpu.dma_semaphore, #tpu.memory_space<semaphore_mem>>)
        %dma_wait3A = arith.constant 0 : i32
        %dma_wait3A_47 = tpu.memref_slice %arg8[%add3A_19, %dma_wait3A] : memref<1024x128xf32, #tpu.memory_space<vmem_shared>> -> memref<32x128xf32, #tpu.memory_space<vmem_shared>>
        %dma_wait3A_48 = arith.constant 0 : i32
        %dma_wait3A_49 = tpu.memref_slice %arg8[%add3A_19, %dma_wait3A_48] : memref<1024x128xf32, #tpu.memory_space<vmem_shared>> -> memref<32x128xf32, #tpu.memory_space<vmem_shared>>
        tpu.wait_dma2 semaphore(%run_scoped3A : memref<!tpu.dma_semaphore, #tpu.memory_space<semaphore_mem>>) src(%arg15 : memref<32x128xf32, #tpu.memory_space<vmem>>) dst(%dma_wait3A_49 : memref<32x128xf32, #tpu.memory_space<vmem_shared>>)
        tpu.yield
      }) : () -> ()
      %mul3A_20 = arith.constant 64 : i32
      %mul3A_21 = arith.muli %arg1, %mul3A_20 : i32
      %add3A_22 = arith.constant 32 : i32
      %add3A_23 = arith.addi %mul3A_21, %add3A_22 : i32
      "tpu.region"() ({
        %run_scoped3A = tpu.sem_alloc : memref<!tpu.dma_semaphore, #tpu.memory_space<semaphore_mem>>
        %dma_start3A_43 = arith.constant 0 : i32
        %dma_start3A_44 = tpu.memref_slice %arg8[%add3A_23, %dma_start3A_43] : memref<1024x128xf32, #tpu.memory_space<vmem_shared>> -> memref<32x128xf32, #tpu.memory_space<vmem_shared>>
        %dma_start3A_45 = arith.constant 0 : i32
        %dma_start3A_46 = tpu.memref_slice %arg8[%add3A_23, %dma_start3A_45] : memref<1024x128xf32, #tpu.memory_space<vmem_shared>> -> memref<32x128xf32, #tpu.memory_space<vmem_shared>>
        tpu.enqueue_dma source(%arg15 : memref<32x128xf32, #tpu.memory_space<vmem>>) target(%dma_start3A_46 : memref<32x128xf32, #tpu.memory_space<vmem_shared>>) target_semaphore(%run_scoped3A : memref<!tpu.dma_semaphore, #tpu.memory_space<semaphore_mem>>)
        %dma_wait3A = arith.constant 0 : i32
        %dma_wait3A_47 = tpu.memref_slice %arg8[%add3A_23, %dma_wait3A] : memref<1024x128xf32, #tpu.memory_space<vmem_shared>> -> memref<32x128xf32, #tpu.memory_space<vmem_shared>>
        %dma_wait3A_48 = arith.constant 0 : i32
        %dma_wait3A_49 = tpu.memref_slice %arg8[%add3A_23, %dma_wait3A_48] : memref<1024x128xf32, #tpu.memory_space<vmem_shared>> -> memref<32x128xf32, #tpu.memory_space<vmem_shared>>
        tpu.wait_dma2 semaphore(%run_scoped3A : memref<!tpu.dma_semaphore, #tpu.memory_space<semaphore_mem>>) src(%arg15 : memref<32x128xf32, #tpu.memory_space<vmem>>) dst(%dma_wait3A_49 : memref<32x128xf32, #tpu.memory_space<vmem_shared>>)
        tpu.yield
      }) : () -> ()
      %barrier3A = arith.constant 0 : index
      tpu.barrier barrier_id(%barrier3A)
      %scan3A_24 = arith.constant 0 : i32
      %scan3A_25 = arith.constant 25 : i32
      %scan3A_26 = arith.addi %scan3A_24, %scan3A_25 : i32
      %scan3A_27 = arith.constant 1 : i32
      scf.for %scan3A_43 = %scan3A_24 to %scan3A_26 step %scan3A_27  : i32 {
        %mul3A_44 = arith.constant 2 : i32
        %mul3A_45 = arith.muli %scan3A_43, %mul3A_44 : i32
        %mul3A_46 = arith.constant 16 : i32
        %mul3A_47 = arith.muli %mul3A_45, %mul3A_46 : i32
        %add3A_48 = arith.addi %arg1, %mul3A_47 : i32
        %add3A_49 = arith.constant 16 : i32
        %add3A_50 = arith.addi %add3A_48, %add3A_49 : i32
        %lt3A = arith.constant 781 : i32
        %lt3A_51 = arith.cmpi slt, %add3A_48, %lt3A : i32
        %convert_element_type3A_52 = arith.extui %lt3A_51 : i1 to i32
        %cond3A_53 = arith.constant 0 : i32
        %cond3A_54 = arith.cmpi ne, %convert_element_type3A_52, %cond3A_53 : i32
        scf.if %cond3A_54 {
          %mul3A_89 = arith.constant 128 : i32
          %mul3A_90 = arith.muli %add3A_48, %mul3A_89 : i32
          %dma_wait3A = arith.constant 0 : i32
          %dma_wait3A_91 = tpu.memref_slice %arg2[%mul3A_90, %dma_wait3A] : memref<100000x128xf32, #tpu.memory_space<hbm>> -> memref<128x128xf32, #tpu.memory_space<hbm>>
          %dma_wait3A_92 = arith.constant 0 : i32
          %dma_wait3A_93 = tpu.memref_slice %arg2[%mul3A_90, %dma_wait3A_92] : memref<100000x128xf32, #tpu.memory_space<hbm>> -> memref<128x128xf32, #tpu.memory_space<hbm>>
          tpu.wait_dma2 semaphore(%arg13 : memref<!tpu.dma_semaphore, #tpu.memory_space<semaphore_mem>>) src(%dma_wait3A_93 : memref<128x128xf32, #tpu.memory_space<hbm>>) dst(%arg9 : memref<128x128xf32, #tpu.memory_space<vmem>>)
          %dma_wait3A_94 = tpu.memref_slice %arg3[%mul3A_90] : memref<100000xi32, #tpu.memory_space<hbm>> -> memref<128xi32, #tpu.memory_space<hbm>>
          %dma_wait3A_95 = tpu.memref_slice %arg3[%mul3A_90] : memref<100000xi32, #tpu.memory_space<hbm>> -> memref<128xi32, #tpu.memory_space<hbm>>
          tpu.wait_dma2 semaphore(%arg13 : memref<!tpu.dma_semaphore, #tpu.memory_space<semaphore_mem>>) src(%dma_wait3A_95 : memref<128xi32, #tpu.memory_space<hbm>>) dst(%arg11 : memref<128xi32, #tpu.memory_space<vmem>>)
        } else {
        }
        %lt3A_55 = arith.constant 781 : i32
        %lt3A_56 = arith.cmpi slt, %add3A_50, %lt3A_55 : i32
        %convert_element_type3A_57 = arith.extui %lt3A_56 : i1 to i32
        %cond3A_58 = arith.constant 0 : i32
        %cond3A_59 = arith.cmpi ne, %convert_element_type3A_57, %cond3A_58 : i32
        scf.if %cond3A_59 {
          %mul3A_89 = arith.constant 128 : i32
          %mul3A_90 = arith.muli %add3A_50, %mul3A_89 : i32
          %dma_start3A_91 = arith.constant 0 : i32
          %dma_start3A_92 = tpu.memref_slice %arg2[%mul3A_90, %dma_start3A_91] : memref<100000x128xf32, #tpu.memory_space<hbm>> -> memref<128x128xf32, #tpu.memory_space<hbm>>
          %dma_start3A_93 = arith.constant 0 : i32
          %dma_start3A_94 = tpu.memref_slice %arg2[%mul3A_90, %dma_start3A_93] : memref<100000x128xf32, #tpu.memory_space<hbm>> -> memref<128x128xf32, #tpu.memory_space<hbm>>
          tpu.enqueue_dma source(%dma_start3A_94 : memref<128x128xf32, #tpu.memory_space<hbm>>) target(%arg10 : memref<128x128xf32, #tpu.memory_space<vmem>>) target_semaphore(%arg14 : memref<!tpu.dma_semaphore, #tpu.memory_space<semaphore_mem>>)
          %dma_start3A_95 = tpu.memref_slice %arg3[%mul3A_90] : memref<100000xi32, #tpu.memory_space<hbm>> -> memref<128xi32, #tpu.memory_space<hbm>>
          %dma_start3A_96 = tpu.memref_slice %arg3[%mul3A_90] : memref<100000xi32, #tpu.memory_space<hbm>> -> memref<128xi32, #tpu.memory_space<hbm>>
          tpu.enqueue_dma source(%dma_start3A_96 : memref<128xi32, #tpu.memory_space<hbm>>) target(%arg12 : memref<128xi32, #tpu.memory_space<vmem>>) target_semaphore(%arg14 : memref<!tpu.dma_semaphore, #tpu.memory_space<semaphore_mem>>)
        } else {
        }
        %lt3A_60 = arith.constant 781 : i32
        %lt3A_61 = arith.cmpi slt, %add3A_48, %lt3A_60 : i32
        %convert_element_type3A_62 = arith.extui %lt3A_61 : i1 to i32
        %cond3A_63 = arith.constant 0 : i32
        %cond3A_64 = arith.cmpi ne, %convert_element_type3A_62, %cond3A_63 : i32
        scf.if %cond3A_64 {
          "tpu.region"() ({
            %run_scoped3A = tpu.sem_alloc : memref<!tpu.dma_semaphore, #tpu.memory_space<semaphore_mem>>
            %dma_start3A_89 = arith.constant 0 : i32
            %dma_start3A_90 = arith.constant 0 : i32
            %dma_start3A_91 = tpu.memref_slice %arg8[%dma_start3A_89, %dma_start3A_90] : memref<1024x128xf32, #tpu.memory_space<vmem_shared>> -> memref<1024x128xf32, #tpu.memory_space<vmem_shared>>
            tpu.enqueue_indirect_dma source(%arg9 : memref<128x128xf32, #tpu.memory_space<vmem>>) target(%dma_start3A_91 : memref<1024x128xf32, #tpu.memory_space<vmem_shared>>) offsets(%arg11 : memref<128xi32, #tpu.memory_space<vmem>>) semaphore(%run_scoped3A : memref<!tpu.dma_semaphore, #tpu.memory_space<semaphore_mem>>) {add = true}
            %dma_wait3A = arith.constant 0 : i32
            %dma_wait3A_92 = arith.constant 0 : i32
            %dma_wait3A_93 = tpu.memref_slice %arg8[%dma_wait3A, %dma_wait3A_92] : memref<1024x128xf32, #tpu.memory_space<vmem_shared>> -> memref<1024x128xf32, #tpu.memory_space<vmem_shared>>
            tpu.wait_indirect_dma semaphore(%run_scoped3A : memref<!tpu.dma_semaphore, #tpu.memory_space<semaphore_mem>>) src(%arg9 : memref<128x128xf32, #tpu.memory_space<vmem>>) dst(%dma_wait3A_93 : memref<1024x128xf32, #tpu.memory_space<vmem_shared>>)
            tpu.yield
          }) : () -> ()
        } else {
        }
        %mul3A_65 = arith.constant 2 : i32
        %mul3A_66 = arith.muli %scan3A_43, %mul3A_65 : i32
        %add3A_67 = arith.constant 1 : i32
        %add3A_68 = arith.addi %mul3A_66, %add3A_67 : i32
        %mul3A_69 = arith.constant 16 : i32
        %mul3A_70 = arith.muli %add3A_68, %mul3A_69 : i32
        %add3A_71 = arith.addi %arg1, %mul3A_70 : i32
        %add3A_72 = arith.constant 16 : i32
        %add3A_73 = arith.addi %add3A_71, %add3A_72 : i32
        %lt3A_74 = arith.constant 781 : i32
        %lt3A_75 = arith.cmpi slt, %add3A_71, %lt3A_74 : i32
        %convert_element_type3A_76 = arith.extui %lt3A_75 : i1 to i32
        %cond3A_77 = arith.constant 0 : i32
        %cond3A_78 = arith.cmpi ne, %convert_element_type3A_76, %cond3A_77 : i32
        scf.if %cond3A_78 {
          %mul3A_89 = arith.constant 128 : i32
          %mul3A_90 = arith.muli %add3A_71, %mul3A_89 : i32
          %dma_wait3A = arith.constant 0 : i32
          %dma_wait3A_91 = tpu.memref_slice %arg2[%mul3A_90, %dma_wait3A] : memref<100000x128xf32, #tpu.memory_space<hbm>> -> memref<128x128xf32, #tpu.memory_space<hbm>>
          %dma_wait3A_92 = arith.constant 0 : i32
          %dma_wait3A_93 = tpu.memref_slice %arg2[%mul3A_90, %dma_wait3A_92] : memref<100000x128xf32, #tpu.memory_space<hbm>> -> memref<128x128xf32, #tpu.memory_space<hbm>>
          tpu.wait_dma2 semaphore(%arg14 : memref<!tpu.dma_semaphore, #tpu.memory_space<semaphore_mem>>) src(%dma_wait3A_93 : memref<128x128xf32, #tpu.memory_space<hbm>>) dst(%arg10 : memref<128x128xf32, #tpu.memory_space<vmem>>)
          %dma_wait3A_94 = tpu.memref_slice %arg3[%mul3A_90] : memref<100000xi32, #tpu.memory_space<hbm>> -> memref<128xi32, #tpu.memory_space<hbm>>
          %dma_wait3A_95 = tpu.memref_slice %arg3[%mul3A_90] : memref<100000xi32, #tpu.memory_space<hbm>> -> memref<128xi32, #tpu.memory_space<hbm>>
          tpu.wait_dma2 semaphore(%arg14 : memref<!tpu.dma_semaphore, #tpu.memory_space<semaphore_mem>>) src(%dma_wait3A_95 : memref<128xi32, #tpu.memory_space<hbm>>) dst(%arg12 : memref<128xi32, #tpu.memory_space<vmem>>)
        } else {
        }
        %lt3A_79 = arith.constant 781 : i32
        %lt3A_80 = arith.cmpi slt, %add3A_73, %lt3A_79 : i32
        %convert_element_type3A_81 = arith.extui %lt3A_80 : i1 to i32
        %cond3A_82 = arith.constant 0 : i32
        %cond3A_83 = arith.cmpi ne, %convert_element_type3A_81, %cond3A_82 : i32
        scf.if %cond3A_83 {
          %mul3A_89 = arith.constant 128 : i32
          %mul3A_90 = arith.muli %add3A_73, %mul3A_89 : i32
          %dma_start3A_91 = arith.constant 0 : i32
          %dma_start3A_92 = tpu.memref_slice %arg2[%mul3A_90, %dma_start3A_91] : memref<100000x128xf32, #tpu.memory_space<hbm>> -> memref<128x128xf32, #tpu.memory_space<hbm>>
          %dma_start3A_93 = arith.constant 0 : i32
          %dma_start3A_94 = tpu.memref_slice %arg2[%mul3A_90, %dma_start3A_93] : memref<100000x128xf32, #tpu.memory_space<hbm>> -> memref<128x128xf32, #tpu.memory_space<hbm>>
          tpu.enqueue_dma source(%dma_start3A_94 : memref<128x128xf32, #tpu.memory_space<hbm>>) target(%arg9 : memref<128x128xf32, #tpu.memory_space<vmem>>) target_semaphore(%arg13 : memref<!tpu.dma_semaphore, #tpu.memory_space<semaphore_mem>>)
          %dma_start3A_95 = tpu.memref_slice %arg3[%mul3A_90] : memref<100000xi32, #tpu.memory_space<hbm>> -> memref<128xi32, #tpu.memory_space<hbm>>
          %dma_start3A_96 = tpu.memref_slice %arg3[%mul3A_90] : memref<100000xi32, #tpu.memory_space<hbm>> -> memref<128xi32, #tpu.memory_space<hbm>>
          tpu.enqueue_dma source(%dma_start3A_96 : memref<128xi32, #tpu.memory_space<hbm>>) target(%arg11 : memref<128xi32, #tpu.memory_space<vmem>>) target_semaphore(%arg13 : memref<!tpu.dma_semaphore, #tpu.memory_space<semaphore_mem>>)
        } else {
        }
        %lt3A_84 = arith.constant 781 : i32
        %lt3A_85 = arith.cmpi slt, %add3A_71, %lt3A_84 : i32
        %convert_element_type3A_86 = arith.extui %lt3A_85 : i1 to i32
        %cond3A_87 = arith.constant 0 : i32
        %cond3A_88 = arith.cmpi ne, %convert_element_type3A_86, %cond3A_87 : i32
        scf.if %cond3A_88 {
          "tpu.region"() ({
            %run_scoped3A = tpu.sem_alloc : memref<!tpu.dma_semaphore, #tpu.memory_space<semaphore_mem>>
            %dma_start3A_89 = arith.constant 0 : i32
            %dma_start3A_90 = arith.constant 0 : i32
            %dma_start3A_91 = tpu.memref_slice %arg8[%dma_start3A_89, %dma_start3A_90] : memref<1024x128xf32, #tpu.memory_space<vmem_shared>> -> memref<1024x128xf32, #tpu.memory_space<vmem_shared>>
            tpu.enqueue_indirect_dma source(%arg10 : memref<128x128xf32, #tpu.memory_space<vmem>>) target(%dma_start3A_91 : memref<1024x128xf32, #tpu.memory_space<vmem_shared>>) offsets(%arg12 : memref<128xi32, #tpu.memory_space<vmem>>) semaphore(%run_scoped3A : memref<!tpu.dma_semaphore, #tpu.memory_space<semaphore_mem>>) {add = true}
            %dma_wait3A = arith.constant 0 : i32
            %dma_wait3A_92 = arith.constant 0 : i32
            %dma_wait3A_93 = tpu.memref_slice %arg8[%dma_wait3A, %dma_wait3A_92] : memref<1024x128xf32, #tpu.memory_space<vmem_shared>> -> memref<1024x128xf32, #tpu.memory_space<vmem_shared>>
            tpu.wait_indirect_dma semaphore(%run_scoped3A : memref<!tpu.dma_semaphore, #tpu.memory_space<semaphore_mem>>) src(%arg10 : memref<128x128xf32, #tpu.memory_space<vmem>>) dst(%dma_wait3A_93 : memref<1024x128xf32, #tpu.memory_space<vmem_shared>>)
            tpu.yield
          }) : () -> ()
        } else {
        }
      }
      %scan3A_28 = arith.constant 25 : i32
      %eq3A_29 = arith.constant 15 : i32
      %eq3A_30 = arith.cmpi eq, %arg1, %eq3A_29 : i32
      %convert_element_type3A_31 = arith.extui %eq3A_30 : i1 to i32
      %cond3A_32 = arith.constant 0 : i32
      %cond3A_33 = arith.cmpi ne, %convert_element_type3A_31, %cond3A_32 : i32
      scf.if %cond3A_33 {
        "tpu.region"() ({
          %run_scoped3A = tpu.sem_alloc : memref<!tpu.dma_semaphore, #tpu.memory_space<semaphore_mem>>
          %dma_start3A_43 = arith.constant 99968 : i32
          %dma_start3A_44 = arith.constant 0 : i32
          %dma_start3A_45 = tpu.memref_slice %arg2[%dma_start3A_43, %dma_start3A_44] : memref<100000x128xf32, #tpu.memory_space<hbm>> -> memref<32x128xf32, #tpu.memory_space<hbm>>
          %dma_start3A_46 = arith.constant 99968 : i32
          %dma_start3A_47 = arith.constant 0 : i32
          %dma_start3A_48 = tpu.memref_slice %arg2[%dma_start3A_46, %dma_start3A_47] : memref<100000x128xf32, #tpu.memory_space<hbm>> -> memref<32x128xf32, #tpu.memory_space<hbm>>
          tpu.enqueue_dma source(%dma_start3A_48 : memref<32x128xf32, #tpu.memory_space<hbm>>) target(%arg15 : memref<32x128xf32, #tpu.memory_space<vmem>>) target_semaphore(%run_scoped3A : memref<!tpu.dma_semaphore, #tpu.memory_space<semaphore_mem>>)
          %dma_wait3A = arith.constant 99968 : i32
          %dma_wait3A_49 = arith.constant 0 : i32
          %dma_wait3A_50 = tpu.memref_slice %arg2[%dma_wait3A, %dma_wait3A_49] : memref<100000x128xf32, #tpu.memory_space<hbm>> -> memref<32x128xf32, #tpu.memory_space<hbm>>
          %dma_wait3A_51 = arith.constant 99968 : i32
          %dma_wait3A_52 = arith.constant 0 : i32
          %dma_wait3A_53 = tpu.memref_slice %arg2[%dma_wait3A_51, %dma_wait3A_52] : memref<100000x128xf32, #tpu.memory_space<hbm>> -> memref<32x128xf32, #tpu.memory_space<hbm>>
          tpu.wait_dma2 semaphore(%run_scoped3A : memref<!tpu.dma_semaphore, #tpu.memory_space<semaphore_mem>>) src(%dma_wait3A_53 : memref<32x128xf32, #tpu.memory_space<hbm>>) dst(%arg15 : memref<32x128xf32, #tpu.memory_space<vmem>>)
          tpu.yield
        }) : () -> ()
        "tpu.region"() ({
          %run_scoped3A = tpu.sem_alloc : memref<!tpu.dma_semaphore, #tpu.memory_space<semaphore_mem>>
          %dma_start3A_43 = arith.constant 99968 : i32
          %dma_start3A_44 = tpu.memref_slice %arg3[%dma_start3A_43] : memref<100000xi32, #tpu.memory_space<hbm>> -> memref<32xi32, #tpu.memory_space<hbm>>
          %dma_start3A_45 = arith.constant 99968 : i32
          %dma_start3A_46 = tpu.memref_slice %arg3[%dma_start3A_45] : memref<100000xi32, #tpu.memory_space<hbm>> -> memref<32xi32, #tpu.memory_space<hbm>>
          tpu.enqueue_dma source(%dma_start3A_46 : memref<32xi32, #tpu.memory_space<hbm>>) target(%arg16 : memref<32xi32, #tpu.memory_space<vmem>>) target_semaphore(%run_scoped3A : memref<!tpu.dma_semaphore, #tpu.memory_space<semaphore_mem>>)
          %dma_wait3A = arith.constant 99968 : i32
          %dma_wait3A_47 = tpu.memref_slice %arg3[%dma_wait3A] : memref<100000xi32, #tpu.memory_space<hbm>> -> memref<32xi32, #tpu.memory_space<hbm>>
          %dma_wait3A_48 = arith.constant 99968 : i32
          %dma_wait3A_49 = tpu.memref_slice %arg3[%dma_wait3A_48] : memref<100000xi32, #tpu.memory_space<hbm>> -> memref<32xi32, #tpu.memory_space<hbm>>
          tpu.wait_dma2 semaphore(%run_scoped3A : memref<!tpu.dma_semaphore, #tpu.memory_space<semaphore_mem>>) src(%dma_wait3A_49 : memref<32xi32, #tpu.memory_space<hbm>>) dst(%arg16 : memref<32xi32, #tpu.memory_space<vmem>>)
          tpu.yield
        }) : () -> ()
        "tpu.region"() ({
          %run_scoped3A = tpu.sem_alloc : memref<!tpu.dma_semaphore, #tpu.memory_space<semaphore_mem>>
          %dma_start3A_43 = arith.constant 0 : i32
          %dma_start3A_44 = arith.constant 0 : i32
          %dma_start3A_45 = tpu.memref_slice %arg8[%dma_start3A_43, %dma_start3A_44] : memref<1024x128xf32, #tpu.memory_space<vmem_shared>> -> memref<1024x128xf32, #tpu.memory_space<vmem_shared>>
          tpu.enqueue_indirect_dma source(%arg15 : memref<32x128xf32, #tpu.memory_space<vmem>>) target(%dma_start3A_45 : memref<1024x128xf32, #tpu.memory_space<vmem_shared>>) offsets(%arg16 : memref<32xi32, #tpu.memory_space<vmem>>) semaphore(%run_scoped3A : memref<!tpu.dma_semaphore, #tpu.memory_space<semaphore_mem>>) {add = true}
          %dma_wait3A = arith.constant 0 : i32
          %dma_wait3A_46 = arith.constant 0 : i32
          %dma_wait3A_47 = tpu.memref_slice %arg8[%dma_wait3A, %dma_wait3A_46] : memref<1024x128xf32, #tpu.memory_space<vmem_shared>> -> memref<1024x128xf32, #tpu.memory_space<vmem_shared>>
          tpu.wait_indirect_dma semaphore(%run_scoped3A : memref<!tpu.dma_semaphore, #tpu.memory_space<semaphore_mem>>) src(%arg15 : memref<32x128xf32, #tpu.memory_space<vmem>>) dst(%dma_wait3A_47 : memref<1024x128xf32, #tpu.memory_space<vmem_shared>>)
          tpu.yield
        }) : () -> ()
      } else {
      }
      %barrier3A_34 = arith.constant 0 : index
      tpu.barrier barrier_id(%barrier3A_34)
      %mul3A_35 = arith.constant 64 : i32
      %mul3A_36 = arith.muli %arg1, %mul3A_35 : i32
      %mul3A_37 = arith.constant 64 : i32
      %mul3A_38 = arith.muli %arg1, %mul3A_37 : i32
      "tpu.region"() ({
        %run_scoped3A = tpu.sem_alloc : memref<!tpu.dma_semaphore, #tpu.memory_space<semaphore_mem>>
        %dma_start3A_43 = arith.constant 0 : i32
        %dma_start3A_44 = tpu.memref_slice %arg7[%mul3A_38, %dma_start3A_43] : memref<1024x320xf32, #tpu.memory_space<hbm>> -> memref<64x128xf32, #tpu.memory_space<hbm>>
        %dma_start3A_45 = arith.constant 0 : i32
        %dma_start3A_46 = tpu.memref_slice %arg8[%mul3A_36, %dma_start3A_45] : memref<1024x128xf32, #tpu.memory_space<vmem_shared>> -> memref<64x128xf32, #tpu.memory_space<vmem_shared>>
        tpu.enqueue_dma source(%dma_start3A_46 : memref<64x128xf32, #tpu.memory_space<vmem_shared>>) target(%dma_start3A_44 : memref<64x128xf32, #tpu.memory_space<hbm>>) target_semaphore(%run_scoped3A : memref<!tpu.dma_semaphore, #tpu.memory_space<semaphore_mem>>)
        %dma_wait3A = arith.constant 0 : i32
        %dma_wait3A_47 = tpu.memref_slice %arg7[%mul3A_38, %dma_wait3A] : memref<1024x320xf32, #tpu.memory_space<hbm>> -> memref<64x128xf32, #tpu.memory_space<hbm>>
        %dma_wait3A_48 = arith.constant 0 : i32
        %dma_wait3A_49 = tpu.memref_slice %arg8[%mul3A_36, %dma_wait3A_48] : memref<1024x128xf32, #tpu.memory_space<vmem_shared>> -> memref<64x128xf32, #tpu.memory_space<vmem_shared>>
        tpu.wait_dma2 semaphore(%run_scoped3A : memref<!tpu.dma_semaphore, #tpu.memory_space<semaphore_mem>>) src(%dma_wait3A_49 : memref<64x128xf32, #tpu.memory_space<vmem_shared>>) dst(%dma_wait3A_47 : memref<64x128xf32, #tpu.memory_space<hbm>>)
        tpu.yield
      }) : () -> ()
      %mul3A_39 = arith.constant 64 : i32
      %mul3A_40 = arith.muli %arg1, %mul3A_39 : i32
      "tpu.region"() ({
        %run_scoped3A = tpu.sem_alloc : memref<!tpu.dma_semaphore, #tpu.memory_space<semaphore_mem>>
        %dma_start3A_43 = arith.constant 0 : i32
        %dma_start3A_44 = tpu.memref_slice %arg6[%mul3A_40, %dma_start3A_43] : memref<1024x64xf32, #tpu.memory_space<hbm>> -> memref<64x64xf32, #tpu.memory_space<hbm>>
        %dma_start3A_45 = arith.constant 0 : i32
        %dma_start3A_46 = tpu.memref_slice %arg6[%mul3A_40, %dma_start3A_45] : memref<1024x64xf32, #tpu.memory_space<hbm>> -> memref<64x64xf32, #tpu.memory_space<hbm>>
        tpu.enqueue_dma source(%dma_start3A_46 : memref<64x64xf32, #tpu.memory_space<hbm>>) target(%arg17 : memref<64x64xf32, #tpu.memory_space<vmem>>) target_semaphore(%run_scoped3A : memref<!tpu.dma_semaphore, #tpu.memory_space<semaphore_mem>>)
        %dma_wait3A = arith.constant 0 : i32
        %dma_wait3A_47 = tpu.memref_slice %arg6[%mul3A_40, %dma_wait3A] : memref<1024x64xf32, #tpu.memory_space<hbm>> -> memref<64x64xf32, #tpu.memory_space<hbm>>
        %dma_wait3A_48 = arith.constant 0 : i32
        %dma_wait3A_49 = tpu.memref_slice %arg6[%mul3A_40, %dma_wait3A_48] : memref<1024x64xf32, #tpu.memory_space<hbm>> -> memref<64x64xf32, #tpu.memory_space<hbm>>
        tpu.wait_dma2 semaphore(%run_scoped3A : memref<!tpu.dma_semaphore, #tpu.memory_space<semaphore_mem>>) src(%dma_wait3A_49 : memref<64x64xf32, #tpu.memory_space<hbm>>) dst(%arg17 : memref<64x64xf32, #tpu.memory_space<vmem>>)
        tpu.yield
      }) : () -> ()
      %mul3A_41 = arith.constant 64 : i32
      %mul3A_42 = arith.muli %arg1, %mul3A_41 : i32
      "tpu.region"() ({
        %run_scoped3A = tpu.sem_alloc : memref<!tpu.dma_semaphore, #tpu.memory_space<semaphore_mem>>
        %dma_start3A_43 = arith.constant 256 : i32
        %dma_start3A_44 = tpu.memref_slice %arg7[%mul3A_42, %dma_start3A_43] : memref<1024x320xf32, #tpu.memory_space<hbm>> -> memref<64x64xf32, #tpu.memory_space<hbm>>
        %dma_start3A_45 = arith.constant 256 : i32
        %dma_start3A_46 = tpu.memref_slice %arg7[%mul3A_42, %dma_start3A_45] : memref<1024x320xf32, #tpu.memory_space<hbm>> -> memref<64x64xf32, #tpu.memory_space<hbm>>
        tpu.enqueue_dma source(%arg17 : memref<64x64xf32, #tpu.memory_space<vmem>>) target(%dma_start3A_46 : memref<64x64xf32, #tpu.memory_space<hbm>>) target_semaphore(%run_scoped3A : memref<!tpu.dma_semaphore, #tpu.memory_space<semaphore_mem>>)
        %dma_wait3A = arith.constant 256 : i32
        %dma_wait3A_47 = tpu.memref_slice %arg7[%mul3A_42, %dma_wait3A] : memref<1024x320xf32, #tpu.memory_space<hbm>> -> memref<64x64xf32, #tpu.memory_space<hbm>>
        %dma_wait3A_48 = arith.constant 256 : i32
        %dma_wait3A_49 = tpu.memref_slice %arg7[%mul3A_42, %dma_wait3A_48] : memref<1024x320xf32, #tpu.memory_space<hbm>> -> memref<64x64xf32, #tpu.memory_space<hbm>>
        tpu.wait_dma2 semaphore(%run_scoped3A : memref<!tpu.dma_semaphore, #tpu.memory_space<semaphore_mem>>) src(%arg17 : memref<64x64xf32, #tpu.memory_space<vmem>>) dst(%dma_wait3A_49 : memref<64x64xf32, #tpu.memory_space<hbm>>)
        tpu.yield
      }) : () -> ()
    } else {
    }
    %eq3A_2 = arith.constant 1 : i32
    %eq3A_3 = arith.cmpi eq, %arg0, %eq3A_2 : i32
    %convert_element_type3A_4 = arith.extui %eq3A_3 : i1 to i32
    %cond3A_5 = arith.constant 0 : i32
    %cond3A_6 = arith.cmpi ne, %convert_element_type3A_4, %cond3A_5 : i32
    scf.if %cond3A_6 {
      %mul3A = arith.constant 128 : i32
      %mul3A_7 = arith.muli %arg1, %mul3A : i32
      %dma_start3A = arith.constant 0 : i32
      %dma_start3A_8 = tpu.memref_slice %arg4[%mul3A_7, %dma_start3A] : memref<100000x128xf32, #tpu.memory_space<hbm>> -> memref<128x128xf32, #tpu.memory_space<hbm>>
      %dma_start3A_9 = arith.constant 0 : i32
      %dma_start3A_10 = tpu.memref_slice %arg4[%mul3A_7, %dma_start3A_9] : memref<100000x128xf32, #tpu.memory_space<hbm>> -> memref<128x128xf32, #tpu.memory_space<hbm>>
      tpu.enqueue_dma source(%dma_start3A_10 : memref<128x128xf32, #tpu.memory_space<hbm>>) target(%arg9 : memref<128x128xf32, #tpu.memory_space<vmem>>) target_semaphore(%arg13 : memref<!tpu.dma_semaphore, #tpu.memory_space<semaphore_mem>>)
      %dma_start3A_11 = tpu.memref_slice %arg5[%mul3A_7] : memref<100000xi32, #tpu.memory_space<hbm>> -> memref<128xi32, #tpu.memory_space<hbm>>
      %dma_start3A_12 = tpu.memref_slice %arg5[%mul3A_7] : memref<100000xi32, #tpu.memory_space<hbm>> -> memref<128xi32, #tpu.memory_space<hbm>>
      tpu.enqueue_dma source(%dma_start3A_12 : memref<128xi32, #tpu.memory_space<hbm>>) target(%arg11 : memref<128xi32, #tpu.memory_space<vmem>>) target_semaphore(%arg13 : memref<!tpu.dma_semaphore, #tpu.memory_space<semaphore_mem>>)
      %scan3A = arith.constant 0 : i32
      %scan3A_13 = arith.constant 32 : i32
      %scan3A_14 = arith.addi %scan3A, %scan3A_13 : i32
      %scan3A_15 = arith.constant 1 : i32
      scf.for %scan3A_39 = %scan3A to %scan3A_14 step %scan3A_15  : i32 {
        %broadcast_in_dim3A = arith.constant 0.000000e+00 : f32
        %broadcast_in_dim3A_40 = vector.broadcast %broadcast_in_dim3A : f32 to vector<16xf32>
        %swap3A = arith.index_cast %scan3A_39 : i32 to index
        %swap3A_41 = arith.constant 0 : index
        %swap3A_42 = tpu.vector_load %arg15[%swap3A, %swap3A_41] {strides = array<i32>} : memref<32x128xf32, #tpu.memory_space<vmem>>, vector<1x16xf32>,
        %swap3A_43 = vector.shape_cast %swap3A_42 : vector<1x16xf32> to vector<16xf32>
        %swap3A_44 = vector.shape_cast %broadcast_in_dim3A_40 : vector<16xf32> to vector<1x16xf32>
        tpu.vector_store %arg15[%swap3A, %swap3A_41], %swap3A_44 {strides = array<i32>} : memref<32x128xf32, #tpu.memory_space<vmem>>, vector<1x16xf32>,
        %broadcast_in_dim3A_45 = arith.constant 0.000000e+00 : f32
        %broadcast_in_dim3A_46 = vector.broadcast %broadcast_in_dim3A_45 : f32 to vector<16xf32>
        %swap3A_47 = arith.index_cast %scan3A_39 : i32 to index
        %swap3A_48 = arith.constant 16 : index
        %swap3A_49 = tpu.vector_load %arg15[%swap3A_47, %swap3A_48] {strides = array<i32>} : memref<32x128xf32, #tpu.memory_space<vmem>>, vector<1x16xf32>,
        %swap3A_50 = vector.shape_cast %swap3A_49 : vector<1x16xf32> to vector<16xf32>
        %swap3A_51 = vector.shape_cast %broadcast_in_dim3A_46 : vector<16xf32> to vector<1x16xf32>
        tpu.vector_store %arg15[%swap3A_47, %swap3A_48], %swap3A_51 {strides = array<i32>} : memref<32x128xf32, #tpu.memory_space<vmem>>, vector<1x16xf32>,
        %broadcast_in_dim3A_52 = arith.constant 0.000000e+00 : f32
        %broadcast_in_dim3A_53 = vector.broadcast %broadcast_in_dim3A_52 : f32 to vector<16xf32>
        %swap3A_54 = arith.index_cast %scan3A_39 : i32 to index
        %swap3A_55 = arith.constant 32 : index
        %swap3A_56 = tpu.vector_load %arg15[%swap3A_54, %swap3A_55] {strides = array<i32>} : memref<32x128xf32, #tpu.memory_space<vmem>>, vector<1x16xf32>,
        %swap3A_57 = vector.shape_cast %swap3A_56 : vector<1x16xf32> to vector<16xf32>
        %swap3A_58 = vector.shape_cast %broadcast_in_dim3A_53 : vector<16xf32> to vector<1x16xf32>
        tpu.vector_store %arg15[%swap3A_54, %swap3A_55], %swap3A_58 {strides = array<i32>} : memref<32x128xf32, #tpu.memory_space<vmem>>, vector<1x16xf32>,
        %broadcast_in_dim3A_59 = arith.constant 0.000000e+00 : f32
        %broadcast_in_dim3A_60 = vector.broadcast %broadcast_in_dim3A_59 : f32 to vector<16xf32>
        %swap3A_61 = arith.index_cast %scan3A_39 : i32 to index
        %swap3A_62 = arith.constant 48 : index
        %swap3A_63 = tpu.vector_load %arg15[%swap3A_61, %swap3A_62] {strides = array<i32>} : memref<32x128xf32, #tpu.memory_space<vmem>>, vector<1x16xf32>,
        %swap3A_64 = vector.shape_cast %swap3A_63 : vector<1x16xf32> to vector<16xf32>
        %swap3A_65 = vector.shape_cast %broadcast_in_dim3A_60 : vector<16xf32> to vector<1x16xf32>
        tpu.vector_store %arg15[%swap3A_61, %swap3A_62], %swap3A_65 {strides = array<i32>} : memref<32x128xf32, #tpu.memory_space<vmem>>, vector<1x16xf32>,
        %broadcast_in_dim3A_66 = arith.constant 0.000000e+00 : f32
        %broadcast_in_dim3A_67 = vector.broadcast %broadcast_in_dim3A_66 : f32 to vector<16xf32>
        %swap3A_68 = arith.index_cast %scan3A_39 : i32 to index
        %swap3A_69 = arith.constant 64 : index
        %swap3A_70 = tpu.vector_load %arg15[%swap3A_68, %swap3A_69] {strides = array<i32>} : memref<32x128xf32, #tpu.memory_space<vmem>>, vector<1x16xf32>,
        %swap3A_71 = vector.shape_cast %swap3A_70 : vector<1x16xf32> to vector<16xf32>
        %swap3A_72 = vector.shape_cast %broadcast_in_dim3A_67 : vector<16xf32> to vector<1x16xf32>
        tpu.vector_store %arg15[%swap3A_68, %swap3A_69], %swap3A_72 {strides = array<i32>} : memref<32x128xf32, #tpu.memory_space<vmem>>, vector<1x16xf32>,
        %broadcast_in_dim3A_73 = arith.constant 0.000000e+00 : f32
        %broadcast_in_dim3A_74 = vector.broadcast %broadcast_in_dim3A_73 : f32 to vector<16xf32>
        %swap3A_75 = arith.index_cast %scan3A_39 : i32 to index
        %swap3A_76 = arith.constant 80 : index
        %swap3A_77 = tpu.vector_load %arg15[%swap3A_75, %swap3A_76] {strides = array<i32>} : memref<32x128xf32, #tpu.memory_space<vmem>>, vector<1x16xf32>,
        %swap3A_78 = vector.shape_cast %swap3A_77 : vector<1x16xf32> to vector<16xf32>
        %swap3A_79 = vector.shape_cast %broadcast_in_dim3A_74 : vector<16xf32> to vector<1x16xf32>
        tpu.vector_store %arg15[%swap3A_75, %swap3A_76], %swap3A_79 {strides = array<i32>} : memref<32x128xf32, #tpu.memory_space<vmem>>, vector<1x16xf32>,
        %broadcast_in_dim3A_80 = arith.constant 0.000000e+00 : f32
        %broadcast_in_dim3A_81 = vector.broadcast %broadcast_in_dim3A_80 : f32 to vector<16xf32>
        %swap3A_82 = arith.index_cast %scan3A_39 : i32 to index
        %swap3A_83 = arith.constant 96 : index
        %swap3A_84 = tpu.vector_load %arg15[%swap3A_82, %swap3A_83] {strides = array<i32>} : memref<32x128xf32, #tpu.memory_space<vmem>>, vector<1x16xf32>,
        %swap3A_85 = vector.shape_cast %swap3A_84 : vector<1x16xf32> to vector<16xf32>
        %swap3A_86 = vector.shape_cast %broadcast_in_dim3A_81 : vector<16xf32> to vector<1x16xf32>
        tpu.vector_store %arg15[%swap3A_82, %swap3A_83], %swap3A_86 {strides = array<i32>} : memref<32x128xf32, #tpu.memory_space<vmem>>, vector<1x16xf32>,
        %broadcast_in_dim3A_87 = arith.constant 0.000000e+00 : f32
        %broadcast_in_dim3A_88 = vector.broadcast %broadcast_in_dim3A_87 : f32 to vector<16xf32>
        %swap3A_89 = arith.index_cast %scan3A_39 : i32 to index
        %swap3A_90 = arith.constant 112 : index
        %swap3A_91 = tpu.vector_load %arg15[%swap3A_89, %swap3A_90] {strides = array<i32>} : memref<32x128xf32, #tpu.memory_space<vmem>>, vector<1x16xf32>,
        %swap3A_92 = vector.shape_cast %swap3A_91 : vector<1x16xf32> to vector<16xf32>
        %swap3A_93 = vector.shape_cast %broadcast_in_dim3A_88 : vector<16xf32> to vector<1x16xf32>
        tpu.vector_store %arg15[%swap3A_89, %swap3A_90], %swap3A_93 {strides = array<i32>} : memref<32x128xf32, #tpu.memory_space<vmem>>, vector<1x16xf32>,
      }
      %scan3A_16 = arith.constant 32 : i32
      %mul3A_17 = arith.constant 64 : i32
      %mul3A_18 = arith.muli %arg1, %mul3A_17 : i32
      %add3A = arith.constant 0 : i32
      %add3A_19 = arith.addi %mul3A_18, %add3A : i32
      "tpu.region"() ({
        %run_scoped3A = tpu.sem_alloc : memref<!tpu.dma_semaphore, #tpu.memory_space<semaphore_mem>>
        %dma_start3A_39 = arith.constant 0 : i32
        %dma_start3A_40 = tpu.memref_slice %arg8[%add3A_19, %dma_start3A_39] : memref<1024x128xf32, #tpu.memory_space<vmem_shared>> -> memref<32x128xf32, #tpu.memory_space<vmem_shared>>
        %dma_start3A_41 = arith.constant 0 : i32
        %dma_start3A_42 = tpu.memref_slice %arg8[%add3A_19, %dma_start3A_41] : memref<1024x128xf32, #tpu.memory_space<vmem_shared>> -> memref<32x128xf32, #tpu.memory_space<vmem_shared>>
        tpu.enqueue_dma source(%arg15 : memref<32x128xf32, #tpu.memory_space<vmem>>) target(%dma_start3A_42 : memref<32x128xf32, #tpu.memory_space<vmem_shared>>) target_semaphore(%run_scoped3A : memref<!tpu.dma_semaphore, #tpu.memory_space<semaphore_mem>>)
        %dma_wait3A = arith.constant 0 : i32
        %dma_wait3A_43 = tpu.memref_slice %arg8[%add3A_19, %dma_wait3A] : memref<1024x128xf32, #tpu.memory_space<vmem_shared>> -> memref<32x128xf32, #tpu.memory_space<vmem_shared>>
        %dma_wait3A_44 = arith.constant 0 : i32
        %dma_wait3A_45 = tpu.memref_slice %arg8[%add3A_19, %dma_wait3A_44] : memref<1024x128xf32, #tpu.memory_space<vmem_shared>> -> memref<32x128xf32, #tpu.memory_space<vmem_shared>>
        tpu.wait_dma2 semaphore(%run_scoped3A : memref<!tpu.dma_semaphore, #tpu.memory_space<semaphore_mem>>) src(%arg15 : memref<32x128xf32, #tpu.memory_space<vmem>>) dst(%dma_wait3A_45 : memref<32x128xf32, #tpu.memory_space<vmem_shared>>)
        tpu.yield
      }) : () -> ()
      %mul3A_20 = arith.constant 64 : i32
      %mul3A_21 = arith.muli %arg1, %mul3A_20 : i32
      %add3A_22 = arith.constant 32 : i32
      %add3A_23 = arith.addi %mul3A_21, %add3A_22 : i32
      "tpu.region"() ({
        %run_scoped3A = tpu.sem_alloc : memref<!tpu.dma_semaphore, #tpu.memory_space<semaphore_mem>>
        %dma_start3A_39 = arith.constant 0 : i32
        %dma_start3A_40 = tpu.memref_slice %arg8[%add3A_23, %dma_start3A_39] : memref<1024x128xf32, #tpu.memory_space<vmem_shared>> -> memref<32x128xf32, #tpu.memory_space<vmem_shared>>
        %dma_start3A_41 = arith.constant 0 : i32
        %dma_start3A_42 = tpu.memref_slice %arg8[%add3A_23, %dma_start3A_41] : memref<1024x128xf32, #tpu.memory_space<vmem_shared>> -> memref<32x128xf32, #tpu.memory_space<vmem_shared>>
        tpu.enqueue_dma source(%arg15 : memref<32x128xf32, #tpu.memory_space<vmem>>) target(%dma_start3A_42 : memref<32x128xf32, #tpu.memory_space<vmem_shared>>) target_semaphore(%run_scoped3A : memref<!tpu.dma_semaphore, #tpu.memory_space<semaphore_mem>>)
        %dma_wait3A = arith.constant 0 : i32
        %dma_wait3A_43 = tpu.memref_slice %arg8[%add3A_23, %dma_wait3A] : memref<1024x128xf32, #tpu.memory_space<vmem_shared>> -> memref<32x128xf32, #tpu.memory_space<vmem_shared>>
        %dma_wait3A_44 = arith.constant 0 : i32
        %dma_wait3A_45 = tpu.memref_slice %arg8[%add3A_23, %dma_wait3A_44] : memref<1024x128xf32, #tpu.memory_space<vmem_shared>> -> memref<32x128xf32, #tpu.memory_space<vmem_shared>>
        tpu.wait_dma2 semaphore(%run_scoped3A : memref<!tpu.dma_semaphore, #tpu.memory_space<semaphore_mem>>) src(%arg15 : memref<32x128xf32, #tpu.memory_space<vmem>>) dst(%dma_wait3A_45 : memref<32x128xf32, #tpu.memory_space<vmem_shared>>)
        tpu.yield
      }) : () -> ()
      %barrier3A = arith.constant 0 : index
      tpu.barrier barrier_id(%barrier3A)
      %scan3A_24 = arith.constant 0 : i32
      %scan3A_25 = arith.constant 25 : i32
      %scan3A_26 = arith.addi %scan3A_24, %scan3A_25 : i32
      %scan3A_27 = arith.constant 1 : i32
      scf.for %scan3A_39 = %scan3A_24 to %scan3A_26 step %scan3A_27  : i32 {
        %mul3A_40 = arith.constant 2 : i32
        %mul3A_41 = arith.muli %scan3A_39, %mul3A_40 : i32
        %mul3A_42 = arith.constant 16 : i32
        %mul3A_43 = arith.muli %mul3A_41, %mul3A_42 : i32
        %add3A_44 = arith.addi %arg1, %mul3A_43 : i32
        %add3A_45 = arith.constant 16 : i32
        %add3A_46 = arith.addi %add3A_44, %add3A_45 : i32
        %lt3A = arith.constant 781 : i32
        %lt3A_47 = arith.cmpi slt, %add3A_44, %lt3A : i32
        %convert_element_type3A_48 = arith.extui %lt3A_47 : i1 to i32
        %cond3A_49 = arith.constant 0 : i32
        %cond3A_50 = arith.cmpi ne, %convert_element_type3A_48, %cond3A_49 : i32
        scf.if %cond3A_50 {
          %mul3A_85 = arith.constant 128 : i32
          %mul3A_86 = arith.muli %add3A_44, %mul3A_85 : i32
          %dma_wait3A = arith.constant 0 : i32
          %dma_wait3A_87 = tpu.memref_slice %arg4[%mul3A_86, %dma_wait3A] : memref<100000x128xf32, #tpu.memory_space<hbm>> -> memref<128x128xf32, #tpu.memory_space<hbm>>
          %dma_wait3A_88 = arith.constant 0 : i32
          %dma_wait3A_89 = tpu.memref_slice %arg4[%mul3A_86, %dma_wait3A_88] : memref<100000x128xf32, #tpu.memory_space<hbm>> -> memref<128x128xf32, #tpu.memory_space<hbm>>
          tpu.wait_dma2 semaphore(%arg13 : memref<!tpu.dma_semaphore, #tpu.memory_space<semaphore_mem>>) src(%dma_wait3A_89 : memref<128x128xf32, #tpu.memory_space<hbm>>) dst(%arg9 : memref<128x128xf32, #tpu.memory_space<vmem>>)
          %dma_wait3A_90 = tpu.memref_slice %arg5[%mul3A_86] : memref<100000xi32, #tpu.memory_space<hbm>> -> memref<128xi32, #tpu.memory_space<hbm>>
          %dma_wait3A_91 = tpu.memref_slice %arg5[%mul3A_86] : memref<100000xi32, #tpu.memory_space<hbm>> -> memref<128xi32, #tpu.memory_space<hbm>>
          tpu.wait_dma2 semaphore(%arg13 : memref<!tpu.dma_semaphore, #tpu.memory_space<semaphore_mem>>) src(%dma_wait3A_91 : memref<128xi32, #tpu.memory_space<hbm>>) dst(%arg11 : memref<128xi32, #tpu.memory_space<vmem>>)
        } else {
        }
        %lt3A_51 = arith.constant 781 : i32
        %lt3A_52 = arith.cmpi slt, %add3A_46, %lt3A_51 : i32
        %convert_element_type3A_53 = arith.extui %lt3A_52 : i1 to i32
        %cond3A_54 = arith.constant 0 : i32
        %cond3A_55 = arith.cmpi ne, %convert_element_type3A_53, %cond3A_54 : i32
        scf.if %cond3A_55 {
          %mul3A_85 = arith.constant 128 : i32
          %mul3A_86 = arith.muli %add3A_46, %mul3A_85 : i32
          %dma_start3A_87 = arith.constant 0 : i32
          %dma_start3A_88 = tpu.memref_slice %arg4[%mul3A_86, %dma_start3A_87] : memref<100000x128xf32, #tpu.memory_space<hbm>> -> memref<128x128xf32, #tpu.memory_space<hbm>>
          %dma_start3A_89 = arith.constant 0 : i32
          %dma_start3A_90 = tpu.memref_slice %arg4[%mul3A_86, %dma_start3A_89] : memref<100000x128xf32, #tpu.memory_space<hbm>> -> memref<128x128xf32, #tpu.memory_space<hbm>>
          tpu.enqueue_dma source(%dma_start3A_90 : memref<128x128xf32, #tpu.memory_space<hbm>>) target(%arg10 : memref<128x128xf32, #tpu.memory_space<vmem>>) target_semaphore(%arg14 : memref<!tpu.dma_semaphore, #tpu.memory_space<semaphore_mem>>)
          %dma_start3A_91 = tpu.memref_slice %arg5[%mul3A_86] : memref<100000xi32, #tpu.memory_space<hbm>> -> memref<128xi32, #tpu.memory_space<hbm>>
          %dma_start3A_92 = tpu.memref_slice %arg5[%mul3A_86] : memref<100000xi32, #tpu.memory_space<hbm>> -> memref<128xi32, #tpu.memory_space<hbm>>
          tpu.enqueue_dma source(%dma_start3A_92 : memref<128xi32, #tpu.memory_space<hbm>>) target(%arg12 : memref<128xi32, #tpu.memory_space<vmem>>) target_semaphore(%arg14 : memref<!tpu.dma_semaphore, #tpu.memory_space<semaphore_mem>>)
        } else {
        }
        %lt3A_56 = arith.constant 781 : i32
        %lt3A_57 = arith.cmpi slt, %add3A_44, %lt3A_56 : i32
        %convert_element_type3A_58 = arith.extui %lt3A_57 : i1 to i32
        %cond3A_59 = arith.constant 0 : i32
        %cond3A_60 = arith.cmpi ne, %convert_element_type3A_58, %cond3A_59 : i32
        scf.if %cond3A_60 {
          "tpu.region"() ({
            %run_scoped3A = tpu.sem_alloc : memref<!tpu.dma_semaphore, #tpu.memory_space<semaphore_mem>>
            %dma_start3A_85 = arith.constant 0 : i32
            %dma_start3A_86 = arith.constant 0 : i32
            %dma_start3A_87 = tpu.memref_slice %arg8[%dma_start3A_85, %dma_start3A_86] : memref<1024x128xf32, #tpu.memory_space<vmem_shared>> -> memref<1024x128xf32, #tpu.memory_space<vmem_shared>>
            tpu.enqueue_indirect_dma source(%arg9 : memref<128x128xf32, #tpu.memory_space<vmem>>) target(%dma_start3A_87 : memref<1024x128xf32, #tpu.memory_space<vmem_shared>>) offsets(%arg11 : memref<128xi32, #tpu.memory_space<vmem>>) semaphore(%run_scoped3A : memref<!tpu.dma_semaphore, #tpu.memory_space<semaphore_mem>>) {add = true}
            %dma_wait3A = arith.constant 0 : i32
            %dma_wait3A_88 = arith.constant 0 : i32
            %dma_wait3A_89 = tpu.memref_slice %arg8[%dma_wait3A, %dma_wait3A_88] : memref<1024x128xf32, #tpu.memory_space<vmem_shared>> -> memref<1024x128xf32, #tpu.memory_space<vmem_shared>>
            tpu.wait_indirect_dma semaphore(%run_scoped3A : memref<!tpu.dma_semaphore, #tpu.memory_space<semaphore_mem>>) src(%arg9 : memref<128x128xf32, #tpu.memory_space<vmem>>) dst(%dma_wait3A_89 : memref<1024x128xf32, #tpu.memory_space<vmem_shared>>)
            tpu.yield
          }) : () -> ()
        } else {
        }
        %mul3A_61 = arith.constant 2 : i32
        %mul3A_62 = arith.muli %scan3A_39, %mul3A_61 : i32
        %add3A_63 = arith.constant 1 : i32
        %add3A_64 = arith.addi %mul3A_62, %add3A_63 : i32
        %mul3A_65 = arith.constant 16 : i32
        %mul3A_66 = arith.muli %add3A_64, %mul3A_65 : i32
        %add3A_67 = arith.addi %arg1, %mul3A_66 : i32
        %add3A_68 = arith.constant 16 : i32
        %add3A_69 = arith.addi %add3A_67, %add3A_68 : i32
        %lt3A_70 = arith.constant 781 : i32
        %lt3A_71 = arith.cmpi slt, %add3A_67, %lt3A_70 : i32
        %convert_element_type3A_72 = arith.extui %lt3A_71 : i1 to i32
        %cond3A_73 = arith.constant 0 : i32
        %cond3A_74 = arith.cmpi ne, %convert_element_type3A_72, %cond3A_73 : i32
        scf.if %cond3A_74 {
          %mul3A_85 = arith.constant 128 : i32
          %mul3A_86 = arith.muli %add3A_67, %mul3A_85 : i32
          %dma_wait3A = arith.constant 0 : i32
          %dma_wait3A_87 = tpu.memref_slice %arg4[%mul3A_86, %dma_wait3A] : memref<100000x128xf32, #tpu.memory_space<hbm>> -> memref<128x128xf32, #tpu.memory_space<hbm>>
          %dma_wait3A_88 = arith.constant 0 : i32
          %dma_wait3A_89 = tpu.memref_slice %arg4[%mul3A_86, %dma_wait3A_88] : memref<100000x128xf32, #tpu.memory_space<hbm>> -> memref<128x128xf32, #tpu.memory_space<hbm>>
          tpu.wait_dma2 semaphore(%arg14 : memref<!tpu.dma_semaphore, #tpu.memory_space<semaphore_mem>>) src(%dma_wait3A_89 : memref<128x128xf32, #tpu.memory_space<hbm>>) dst(%arg10 : memref<128x128xf32, #tpu.memory_space<vmem>>)
          %dma_wait3A_90 = tpu.memref_slice %arg5[%mul3A_86] : memref<100000xi32, #tpu.memory_space<hbm>> -> memref<128xi32, #tpu.memory_space<hbm>>
          %dma_wait3A_91 = tpu.memref_slice %arg5[%mul3A_86] : memref<100000xi32, #tpu.memory_space<hbm>> -> memref<128xi32, #tpu.memory_space<hbm>>
          tpu.wait_dma2 semaphore(%arg14 : memref<!tpu.dma_semaphore, #tpu.memory_space<semaphore_mem>>) src(%dma_wait3A_91 : memref<128xi32, #tpu.memory_space<hbm>>) dst(%arg12 : memref<128xi32, #tpu.memory_space<vmem>>)
        } else {
        }
        %lt3A_75 = arith.constant 781 : i32
        %lt3A_76 = arith.cmpi slt, %add3A_69, %lt3A_75 : i32
        %convert_element_type3A_77 = arith.extui %lt3A_76 : i1 to i32
        %cond3A_78 = arith.constant 0 : i32
        %cond3A_79 = arith.cmpi ne, %convert_element_type3A_77, %cond3A_78 : i32
        scf.if %cond3A_79 {
          %mul3A_85 = arith.constant 128 : i32
          %mul3A_86 = arith.muli %add3A_69, %mul3A_85 : i32
          %dma_start3A_87 = arith.constant 0 : i32
          %dma_start3A_88 = tpu.memref_slice %arg4[%mul3A_86, %dma_start3A_87] : memref<100000x128xf32, #tpu.memory_space<hbm>> -> memref<128x128xf32, #tpu.memory_space<hbm>>
          %dma_start3A_89 = arith.constant 0 : i32
          %dma_start3A_90 = tpu.memref_slice %arg4[%mul3A_86, %dma_start3A_89] : memref<100000x128xf32, #tpu.memory_space<hbm>> -> memref<128x128xf32, #tpu.memory_space<hbm>>
          tpu.enqueue_dma source(%dma_start3A_90 : memref<128x128xf32, #tpu.memory_space<hbm>>) target(%arg9 : memref<128x128xf32, #tpu.memory_space<vmem>>) target_semaphore(%arg13 : memref<!tpu.dma_semaphore, #tpu.memory_space<semaphore_mem>>)
          %dma_start3A_91 = tpu.memref_slice %arg5[%mul3A_86] : memref<100000xi32, #tpu.memory_space<hbm>> -> memref<128xi32, #tpu.memory_space<hbm>>
          %dma_start3A_92 = tpu.memref_slice %arg5[%mul3A_86] : memref<100000xi32, #tpu.memory_space<hbm>> -> memref<128xi32, #tpu.memory_space<hbm>>
          tpu.enqueue_dma source(%dma_start3A_92 : memref<128xi32, #tpu.memory_space<hbm>>) target(%arg11 : memref<128xi32, #tpu.memory_space<vmem>>) target_semaphore(%arg13 : memref<!tpu.dma_semaphore, #tpu.memory_space<semaphore_mem>>)
        } else {
        }
        %lt3A_80 = arith.constant 781 : i32
        %lt3A_81 = arith.cmpi slt, %add3A_67, %lt3A_80 : i32
        %convert_element_type3A_82 = arith.extui %lt3A_81 : i1 to i32
        %cond3A_83 = arith.constant 0 : i32
        %cond3A_84 = arith.cmpi ne, %convert_element_type3A_82, %cond3A_83 : i32
        scf.if %cond3A_84 {
          "tpu.region"() ({
            %run_scoped3A = tpu.sem_alloc : memref<!tpu.dma_semaphore, #tpu.memory_space<semaphore_mem>>
            %dma_start3A_85 = arith.constant 0 : i32
            %dma_start3A_86 = arith.constant 0 : i32
            %dma_start3A_87 = tpu.memref_slice %arg8[%dma_start3A_85, %dma_start3A_86] : memref<1024x128xf32, #tpu.memory_space<vmem_shared>> -> memref<1024x128xf32, #tpu.memory_space<vmem_shared>>
            tpu.enqueue_indirect_dma source(%arg10 : memref<128x128xf32, #tpu.memory_space<vmem>>) target(%dma_start3A_87 : memref<1024x128xf32, #tpu.memory_space<vmem_shared>>) offsets(%arg12 : memref<128xi32, #tpu.memory_space<vmem>>) semaphore(%run_scoped3A : memref<!tpu.dma_semaphore, #tpu.memory_space<semaphore_mem>>) {add = true}
            %dma_wait3A = arith.constant 0 : i32
            %dma_wait3A_88 = arith.constant 0 : i32
            %dma_wait3A_89 = tpu.memref_slice %arg8[%dma_wait3A, %dma_wait3A_88] : memref<1024x128xf32, #tpu.memory_space<vmem_shared>> -> memref<1024x128xf32, #tpu.memory_space<vmem_shared>>
            tpu.wait_indirect_dma semaphore(%run_scoped3A : memref<!tpu.dma_semaphore, #tpu.memory_space<semaphore_mem>>) src(%arg10 : memref<128x128xf32, #tpu.memory_space<vmem>>) dst(%dma_wait3A_89 : memref<1024x128xf32, #tpu.memory_space<vmem_shared>>)
            tpu.yield
          }) : () -> ()
        } else {
        }
      }
      %scan3A_28 = arith.constant 25 : i32
      %eq3A_29 = arith.constant 15 : i32
      %eq3A_30 = arith.cmpi eq, %arg1, %eq3A_29 : i32
      %convert_element_type3A_31 = arith.extui %eq3A_30 : i1 to i32
      %cond3A_32 = arith.constant 0 : i32
      %cond3A_33 = arith.cmpi ne, %convert_element_type3A_31, %cond3A_32 : i32
      scf.if %cond3A_33 {
        "tpu.region"() ({
          %run_scoped3A = tpu.sem_alloc : memref<!tpu.dma_semaphore, #tpu.memory_space<semaphore_mem>>
          %dma_start3A_39 = arith.constant 99968 : i32
          %dma_start3A_40 = arith.constant 0 : i32
          %dma_start3A_41 = tpu.memref_slice %arg4[%dma_start3A_39, %dma_start3A_40] : memref<100000x128xf32, #tpu.memory_space<hbm>> -> memref<32x128xf32, #tpu.memory_space<hbm>>
          %dma_start3A_42 = arith.constant 99968 : i32
          %dma_start3A_43 = arith.constant 0 : i32
          %dma_start3A_44 = tpu.memref_slice %arg4[%dma_start3A_42, %dma_start3A_43] : memref<100000x128xf32, #tpu.memory_space<hbm>> -> memref<32x128xf32, #tpu.memory_space<hbm>>
          tpu.enqueue_dma source(%dma_start3A_44 : memref<32x128xf32, #tpu.memory_space<hbm>>) target(%arg15 : memref<32x128xf32, #tpu.memory_space<vmem>>) target_semaphore(%run_scoped3A : memref<!tpu.dma_semaphore, #tpu.memory_space<semaphore_mem>>)
          %dma_wait3A = arith.constant 99968 : i32
          %dma_wait3A_45 = arith.constant 0 : i32
          %dma_wait3A_46 = tpu.memref_slice %arg4[%dma_wait3A, %dma_wait3A_45] : memref<100000x128xf32, #tpu.memory_space<hbm>> -> memref<32x128xf32, #tpu.memory_space<hbm>>
          %dma_wait3A_47 = arith.constant 99968 : i32
          %dma_wait3A_48 = arith.constant 0 : i32
          %dma_wait3A_49 = tpu.memref_slice %arg4[%dma_wait3A_47, %dma_wait3A_48] : memref<100000x128xf32, #tpu.memory_space<hbm>> -> memref<32x128xf32, #tpu.memory_space<hbm>>
          tpu.wait_dma2 semaphore(%run_scoped3A : memref<!tpu.dma_semaphore, #tpu.memory_space<semaphore_mem>>) src(%dma_wait3A_49 : memref<32x128xf32, #tpu.memory_space<hbm>>) dst(%arg15 : memref<32x128xf32, #tpu.memory_space<vmem>>)
          tpu.yield
        }) : () -> ()
        "tpu.region"() ({
          %run_scoped3A = tpu.sem_alloc : memref<!tpu.dma_semaphore, #tpu.memory_space<semaphore_mem>>
          %dma_start3A_39 = arith.constant 99968 : i32
          %dma_start3A_40 = tpu.memref_slice %arg5[%dma_start3A_39] : memref<100000xi32, #tpu.memory_space<hbm>> -> memref<32xi32, #tpu.memory_space<hbm>>
          %dma_start3A_41 = arith.constant 99968 : i32
          %dma_start3A_42 = tpu.memref_slice %arg5[%dma_start3A_41] : memref<100000xi32, #tpu.memory_space<hbm>> -> memref<32xi32, #tpu.memory_space<hbm>>
          tpu.enqueue_dma source(%dma_start3A_42 : memref<32xi32, #tpu.memory_space<hbm>>) target(%arg16 : memref<32xi32, #tpu.memory_space<vmem>>) target_semaphore(%run_scoped3A : memref<!tpu.dma_semaphore, #tpu.memory_space<semaphore_mem>>)
          %dma_wait3A = arith.constant 99968 : i32
          %dma_wait3A_43 = tpu.memref_slice %arg5[%dma_wait3A] : memref<100000xi32, #tpu.memory_space<hbm>> -> memref<32xi32, #tpu.memory_space<hbm>>
          %dma_wait3A_44 = arith.constant 99968 : i32
          %dma_wait3A_45 = tpu.memref_slice %arg5[%dma_wait3A_44] : memref<100000xi32, #tpu.memory_space<hbm>> -> memref<32xi32, #tpu.memory_space<hbm>>
          tpu.wait_dma2 semaphore(%run_scoped3A : memref<!tpu.dma_semaphore, #tpu.memory_space<semaphore_mem>>) src(%dma_wait3A_45 : memref<32xi32, #tpu.memory_space<hbm>>) dst(%arg16 : memref<32xi32, #tpu.memory_space<vmem>>)
          tpu.yield
        }) : () -> ()
        "tpu.region"() ({
          %run_scoped3A = tpu.sem_alloc : memref<!tpu.dma_semaphore, #tpu.memory_space<semaphore_mem>>
          %dma_start3A_39 = arith.constant 0 : i32
          %dma_start3A_40 = arith.constant 0 : i32
          %dma_start3A_41 = tpu.memref_slice %arg8[%dma_start3A_39, %dma_start3A_40] : memref<1024x128xf32, #tpu.memory_space<vmem_shared>> -> memref<1024x128xf32, #tpu.memory_space<vmem_shared>>
          tpu.enqueue_indirect_dma source(%arg15 : memref<32x128xf32, #tpu.memory_space<vmem>>) target(%dma_start3A_41 : memref<1024x128xf32, #tpu.memory_space<vmem_shared>>) offsets(%arg16 : memref<32xi32, #tpu.memory_space<vmem>>) semaphore(%run_scoped3A : memref<!tpu.dma_semaphore, #tpu.memory_space<semaphore_mem>>) {add = true}
          %dma_wait3A = arith.constant 0 : i32
          %dma_wait3A_42 = arith.constant 0 : i32
          %dma_wait3A_43 = tpu.memref_slice %arg8[%dma_wait3A, %dma_wait3A_42] : memref<1024x128xf32, #tpu.memory_space<vmem_shared>> -> memref<1024x128xf32, #tpu.memory_space<vmem_shared>>
          tpu.wait_indirect_dma semaphore(%run_scoped3A : memref<!tpu.dma_semaphore, #tpu.memory_space<semaphore_mem>>) src(%arg15 : memref<32x128xf32, #tpu.memory_space<vmem>>) dst(%dma_wait3A_43 : memref<1024x128xf32, #tpu.memory_space<vmem_shared>>)
          tpu.yield
        }) : () -> ()
      } else {
      }
      %barrier3A_34 = arith.constant 0 : index
      tpu.barrier barrier_id(%barrier3A_34)
      %mul3A_35 = arith.constant 64 : i32
      %mul3A_36 = arith.muli %arg1, %mul3A_35 : i32
      %mul3A_37 = arith.constant 64 : i32
      %mul3A_38 = arith.muli %arg1, %mul3A_37 : i32
      "tpu.region"() ({
        %run_scoped3A = tpu.sem_alloc : memref<!tpu.dma_semaphore, #tpu.memory_space<semaphore_mem>>
        %dma_start3A_39 = arith.constant 128 : i32
        %dma_start3A_40 = tpu.memref_slice %arg7[%mul3A_38, %dma_start3A_39] : memref<1024x320xf32, #tpu.memory_space<hbm>> -> memref<64x128xf32, #tpu.memory_space<hbm>>
        %dma_start3A_41 = arith.constant 0 : i32
        %dma_start3A_42 = tpu.memref_slice %arg8[%mul3A_36, %dma_start3A_41] : memref<1024x128xf32, #tpu.memory_space<vmem_shared>> -> memref<64x128xf32, #tpu.memory_space<vmem_shared>>
        tpu.enqueue_dma source(%dma_start3A_42 : memref<64x128xf32, #tpu.memory_space<vmem_shared>>) target(%dma_start3A_40 : memref<64x128xf32, #tpu.memory_space<hbm>>) target_semaphore(%run_scoped3A : memref<!tpu.dma_semaphore, #tpu.memory_space<semaphore_mem>>)
        %dma_wait3A = arith.constant 128 : i32
        %dma_wait3A_43 = tpu.memref_slice %arg7[%mul3A_38, %dma_wait3A] : memref<1024x320xf32, #tpu.memory_space<hbm>> -> memref<64x128xf32, #tpu.memory_space<hbm>>
        %dma_wait3A_44 = arith.constant 0 : i32
        %dma_wait3A_45 = tpu.memref_slice %arg8[%mul3A_36, %dma_wait3A_44] : memref<1024x128xf32, #tpu.memory_space<vmem_shared>> -> memref<64x128xf32, #tpu.memory_space<vmem_shared>>
        tpu.wait_dma2 semaphore(%run_scoped3A : memref<!tpu.dma_semaphore, #tpu.memory_space<semaphore_mem>>) src(%dma_wait3A_45 : memref<64x128xf32, #tpu.memory_space<vmem_shared>>) dst(%dma_wait3A_43 : memref<64x128xf32, #tpu.memory_space<hbm>>)
        tpu.yield
      }) : () -> ()
    } else {
    }
    return
  }
}

</mosaic_0001>

<sc_bundles>
// kernel: kernel.3.cloned.1.call-start
scs
__scs_entry_jumppad:
0x0: {  	(pc) =	sbr.rel $0x88, $3  }
0x1: {  	(tag) =	ssettag $0x0;
	lr =	simm.s32 $0x1  }
0x2: {  	[smem:$0x3F9C] =	sst lr;
	_ =	strace $0xD0000000  }
0x3: {  	_ = 	snop  }
0x4: {  	_ = 	snop  }
0x5: {  	_ = 	snop  }
0x6: {  	_ = 	snop  }
0x7: {  	_ = 	snop  }
__scs_overlays_trampoline_lowered:
0x8: {  	[smem:$0x3FAB] =	sst s0  }
0x9: {  	[smem:$0x3FAC] =	sst s1  }
0xa: {  	[smem:$0x3FAD] =	sst s2  }
0xb: {  	[smem:$0x3FAE] =	sst s3  }
0xc: {  	[smem:$0x3FAF] =	sst s4  }
0xd: {  	[smem:$0x3FB0] =	sst s5  }
0xe: {  	[smem:$0x3FB1] =	sst s6  }
0xf: {  	[smem:$0x3FB2] =	sst s7  }
0x10: {  	[smem:$0x3FB3] =	sst s8  }
0x11: {  	[smem:$0x3FB4] =	sst s9;
	s0 =	simm.s32 @!p0 $0x0  }
0x12: {  	s1 =	sld [smem:$0x3F9A];
	s0 =	simm.s32 @p0 $0x1  }
0x13: {  	[smem:$0x3FB5] =	sst s0;
	s0 =	simm.s32 @!p1 $0x0  }
0x14: {  	s2 =	sld [smem:$0x3F99];
	s0 =	simm.s32 @p1 $0x1  }
0x15: {  	[smem:$0x3FB6] =	sst s0;
	s0 =	simm.s32 @!p2 $0x0  }
0x16: {  	s3 =	sld [smem:$0x3FDB];
	s0 =	simm.s32 @p2 $0x1  }
0x17: {  	s4 =	simm.s32 $0x1BF5;
	[smem:$0x3FB8] =	sst s0  }
0x18: {  	s0 =	sld [smem:$0x3F9B];
	_ =	swait.ge [sflag:s4], $0x0  }
0x19: {  	s7 =	sld [smem:$0x3F9C]  }
0x1a: {  	s8 =	sadd.s32 $0xFFFFE003, lr  }
0x1b: {  	s9 =	sadd.s32 $0xFFFFFEF7, lr;
	s5 =	simm.s32 $0xFFFFFFFF;
	p2 =	slt.u32 s8, $0xFFFFF086  }
0x1c: {  	p1 =	slt.u32 s9, $0xF7A;
	s5 =	simm.s32 @!p2 $0x0  }
0x1d: {  	s5 =	simm.s32 @p1 $0x1;
	p0 =	seq.s32 s7, s2  }
0x1e: {  	s7 =	smul.u32 @!p0 $0xF7A, s2;
	p2 =	seq.s32 @!p0 s5, $0x0  }
0x1f: {  	s9 =	smul.u32 $0xF7A, s1;
	s8 =	simm.s32 @!p0 $0x1BF5;
	p2 =	por !p2, p0  }
0x20: {  	[sflag:s8] =	ssyncset.s32 @!p0 $0xFFFFF086;
	s6 =	sadd.s32 @!p0 s3, s7;
	s7 =	simm.s32 @!p0 $0x108  }
0x21: {  	s3 =	sadd.s32 s3, s9;
	s6 =	sadd.s32 @!p0 $0x88, s6;
	s7 =	simm.s32 @p2 $0x1082  }
0x22: {  	[simem:s7], [sflag:s8] =	dma.local @!p0 [hbm:s6], $0xF7A  }
0x23: {  	s9 =	sor.u32 $0xD0000000, s2;
	s6 =	simm.s32 $0x108;
	_ =	swait.ge @!p0 [sflag:s8], $0x0  }
0x24: {  	s3 =	sadd.s32 $0x88, s3;
	s6 =	simm.s32 @!p1 $0x1082;
	[sflag:s4] =	ssyncset.s32 $0xFFFFF086  }
0x25: {  	[simem:s6], [sflag:s4] =	dma.local [hbm:s3], $0xF7A  }
0x26: {  	[smem:$0x3F9C] =	sst s1;
	(tag) =	ssettag s2;
	_ =	strace s9  }
0x27: {  	s1 =	sld [smem:$0x3FAC]  }
0x28: {  	s2 =	sld [smem:$0x3FAD]  }
0x29: {  	s4 =	sld [smem:$0x3FAF]  }
0x2a: {  	p0 =	seq.s32 s5, $0x0;
	s5 =	sld [smem:$0x3FB0]  }
0x2b: {  	s6 =	sld [smem:$0x3FB1]  }
0x2c: {  	s7 =	sld [smem:$0x3FB2]  }
0x2d: {  	s3 =	simm.s32 $0x108;
	s8 =	sld [smem:$0x3FB3]  }
0x2e: {  	s3 =	simm.s32 @!p0 $0x1082;
	s9 =	sld [smem:$0x3FB4]  }
0x2f: {  	lr =	sadd.s32 s0, s3;
	s0 =	sld [smem:$0x3FAB]  }
0x30: {  	s3 =	sld [smem:$0x3FAE]  }
0x31: {  	[smem:$0x3FB7] =	sst s10  }
0x32: {  	s10 =	sld [smem:$0x3FB5];
	_ =	sdelay $0x3  }
0x33: {  	p0 =	seq.s32 s10, $0x1;
	s10 =	sld [smem:$0x3FB7];
	_ =	sdelay $0x3  }
0x34: {  	[smem:$0x3FB7] =	sst s10  }
0x35: {  	s10 =	sld [smem:$0x3FB6];
	_ =	sdelay $0x3  }
0x36: {  	p1 =	seq.s32 s10, $0x1;
	s10 =	sld [smem:$0x3FB7];
	_ =	sdelay $0x3  }
0x37: {  	[smem:$0x3FB7] =	sst s10  }
0x38: {  	s10 =	sld [smem:$0x3FB8]  }
0x39: {  	_ = 	snop;
	(pc) =	sbr.ind lr, $3  }
0x3a: {  	_ = 	snop  }
0x3b: {  	_ = 	snop  }
0x3c: {  	p2 =	seq.s32 s10, $0x1;
	s10 =	sld [smem:$0x3FB7]  }
0x3d: {  	_ =	shalt  }
0x3e: {  	_ =	shalt  }
0x3f: {  	_ =	shalt  }
0x40: {  	_ =	shalt  }
0x41: {  	_ =	shalt  }
0x42: {  	_ =	shalt  }
0x43: {  	_ =	shalt  }
0x44: {  	_ =	shalt  }
0x45: {  	_ =	shalt  }
0x46: {  	_ =	shalt  }
0x47: {  	_ =	shalt  }
0x48: {  	_ =	shalt  }
0x49: {  	_ =	shalt  }
0x4a: {  	_ =	shalt  }
0x4b: {  	_ =	shalt  }
0x4c: {  	_ =	shalt  }
0x4d: {  	_ =	shalt  }
0x4e: {  	_ =	shalt  }
0x4f: {  	_ =	shalt  }
0x50: {  	_ =	shalt  }
0x51: {  	_ =	shalt  }
0x52: {  	_ =	shalt  }
0x53: {  	_ =	shalt  }
0x54: {  	_ =	shalt  }
0x55: {  	_ =	shalt  }
0x56: {  	_ =	shalt  }
0x57: {  	_ =	shalt  }
0x58: {  	_ =	shalt  }
0x59: {  	_ =	shalt  }
0x5a: {  	_ =	shalt  }
0x5b: {  	_ =	shalt  }
0x5c: {  	_ =	shalt  }
0x5d: {  	_ =	shalt  }
0x5e: {  	_ =	shalt  }
0x5f: {  	_ =	shalt  }
0x60: {  	_ =	shalt  }
0x61: {  	_ =	shalt  }
0x62: {  	_ =	shalt  }
0x63: {  	_ =	shalt  }
0x64: {  	_ =	shalt  }
0x65: {  	_ =	shalt  }
0x66: {  	_ =	shalt  }
0x67: {  	_ =	shalt  }
0x68: {  	_ =	shalt  }
0x69: {  	_ =	shalt  }
0x6a: {  	_ =	shalt  }
0x6b: {  	_ =	shalt  }
0x6c: {  	_ =	shalt  }
0x6d: {  	_ =	shalt  }
0x6e: {  	_ =	shalt  }
0x6f: {  	_ =	shalt  }
0x70: {  	_ =	shalt  }
0x71: {  	_ =	shalt  }
0x72: {  	_ =	shalt  }
0x73: {  	_ =	shalt  }
0x74: {  	_ =	shalt  }
0x75: {  	_ =	shalt  }
0x76: {  	_ =	shalt  }
0x77: {  	_ =	shalt  }
0x78: {  	_ =	shalt  }
0x79: {  	_ =	shalt  }
0x7a: {  	_ =	shalt  }
0x7b: {  	_ =	shalt  }
0x7c: {  	_ =	shalt  }
0x7d: {  	_ =	shalt  }
0x7e: {  	_ =	shalt  }
0x7f: {  	_ =	shalt  }
0x80: {  	_ =	shalt  }
0x81: {  	_ =	shalt  }
0x82: {  	_ =	shalt  }
0x83: {  	_ =	shalt  }
0x84: {  	_ =	shalt  }
0x85: {  	_ =	shalt  }
0x86: {  	_ =	shalt  }
0x87: {  	_ =	shalt  }
.Lfunc_end0:
.L_simem_size_0:
called_computation_lowered:
.L_overlay_start_0:
0x88: {  	s2 =	sld [smem:$0x3FD9]  }
0x89: {  	s3 =	sld [smem:$0x3FFE];
	_ =	sdelay $0x1  }
0x8a: {  	s1 =	srdreg.scid  }
0x8b: {  	s0 =	sand.u32 $0x1, s1  }
0x8c: {  	s17 =	sshll.u32 s0, $0xA;
	s2 =	sadd.s32 s3, s2  }
0x8d: {  	s2 =	sadd.s32 s2, s17  }
0x8e: {  	[smem:$0x3FC3] =	sst s2  }
0x8f: {  	_ = 	snop  }
0x90: {  	s2 =	sld [smem:$0x3FC9]  }
0x91: {  	s18 =	sld [smem:$0x3FC8]  }
0x92: {  	s4 =	sld [smem:$0x3FC6]  }
0x93: {  	s5 =	sld [smem:$0x3FC5]  }
0x94: {  	s6 =	sld [smem:$0x3FD0];
	(tm) =	ssettm $0x1  }
0x95: {  	s7 =	sld [smem:$0x3FFB];
	_ =	sdelay $0x3  }
0x96: {  	_ =	strace s7  }
0x97: {  	s7 =	sld [smem:$0x3FFC];
	_ =	sdelay $0x3  }
0x98: {  	_ =	strace s7  }
0x99: {  	s7 =	sld [smem:$0x3FFD];
	_ =	sdelay $0x3  }
0x9a: {  	_ =	strace s7  }
0x9b: {  	_ =	strace $0x8FFFFFFF  }
0x9c: {  	s19 =	sld [smem:$0x3FDB];
	_ =	sdelay $0x1  }
0x9d: {  	s8 =	simm.s32 $_scs_section_size  }
0x9e: {  	s9 =	simm.s32 $_size__tile_overlayer_lowered;
	s10 =	simm.s32 $_tile_overlayer_lowered  }
0x9f: {  	s22 =	simm.s32 $0x1BFF;
	s21 =	sshll.u32 s10, $0x1;
	s7 =	sadd.s32 s8, s19  }
0xa0: {  	s11 =	simm.s32 $0x0;
	s20 =	sshll.u32 s9, $0x1;
	s9 =	sadd.s32 s21, s7  }
0xa1: {  	[timem:s11], [sflag:s22] =	dma.local [hbm:s9], s20  }
0xa2: {  	_ =	swait.ge [sflag:s22], s20  }
0xa3: {  	s8 =	ssub.s32 $0x0, s20;
	[sflag:s22] =	ssyncset.done $0x0  }
0xa4: {  	[sflag:s22] =	ssyncadd.s32 s8;
	_ =	sdelay $0x1  }
0xa5: {  	s23 =	simm.s32 $0x1B8B  }
0xa6: {  	_ =	swait.ge [sflag:s23], $0x1  }
0xa7: {  	[sflag:s23] =	ssyncset.done $0x0  }
0xa8: {  	s25 =	simm.s32 $0x1B8E;
	s24 =	sld [smem:$0x3FFE];
	[sflag:s23] =	ssyncadd.s32 $0xFFFFFFFF  }
0xa9: {  	s26 =	simm.s32 $execute0_lowered;
	[smem:$0x3FD2] =	sst s25  }
0xaa: {  	s9 =	sshll.u32 s26, $0x1;
	_ =	strace $0x80000046;
	[dreg:$0x1] =	wrdreg $0xFFFFFFFF  }
0xab: {  	s28 =	simm.s32 $_size_execute0_lowered;
	s7 =	sadd.s32 s7, s9;
	[dreg:$0x0] =	wrdreg $0x0  }
0xac: {  	s9 =	sshll.u32 s28, $0x1;
	[dreg:$0x2] =	wrdreg s7  }
0xad: {  	[dreg:$0x3] =	wrdreg s9  }
0xae: {  	[dreg:$0x4] =	wrdreg $0xC0  }
0xaf: {  	_ =	task [dreg:s11], $0x5FFFF  }
0xb0: {  	[dreg:$0x1] =	wrdreg $0xFFFFFFFF  }
0xb1: {  	[dreg:$0x0] =	wrdreg $0x60  }
0xb2: {  	[dreg:$0x2] =	wrdreg s2  }
0xb3: {  	[dreg:$0x3] =	wrdreg s4  }
0xb4: {  	[dreg:$0x4] =	wrdreg s18  }
0xb5: {  	[dreg:$0x5] =	wrdreg s5  }
0xb6: {  	[dreg:$0x6] =	wrdreg s6  }
0xb7: {  	[dreg:$0x7] =	wrdreg s24  }
0xb8: {  	[dreg:$0x8] =	wrdreg $0x0  }
0xb9: {  	[dreg:$0x9] =	wrdreg $0x9  }
0xba: {  	_ =	task.clear_ibuf [dreg:s11], $0xAFFFF;
	_ =	strace $0x90000046  }
0xbb: {  	s29 =	simm.s32 $0x9;
	_ =	strace $0x80000048  }
0xbc: {  	_ =	swait.ge [sflag:s29], $0x1  }
0xbd: {  	[sflag:s29] =	ssyncadd.s32 $0xFFFFFFFF  }
0xbe: {  	_ =	strace $0x90000048  }
0xbf: {  	_ =	sfence  }
0xc0: {  	s30 =	sld [smem:$0x0];
	_ =	sdelay $0x2  }
0xc1: {  	s31 =	sshll.u32 s1, $0xD;
	s1 =	sshrl.u32 s1, $0x2  }
0xc2: {  	s3 =	sand.u32 $0x4000, s31;
	s1 =	sadd.s32 s1, s30  }
0xc3: {  	s0 =	sor.u32 s3, s0;
	s1 =	sshll.u32 s1, $0x11  }
0xc4: {  	s0 =	sor.u32 s1, s0  }
0xc5: {  	s0 =	sadd.s32 $0x8F2B, s0  }
0xc6: {  	[sflag:s0] =	ssyncadd.remote.s32 $0x1  }
0xc7: {  	_ =	sfence.sel $0xFFFF  }
0xc8: {  	[dreg:$0x0] =	wrdreg $0xFFFFFFFF;
	(pc) =	sbr.abs _section_cstart, $3  }
0xc9: {  	[dreg:$0x1] =	wrdreg $0xFFFFFFFF  }
0xca: {  	_ =	task.clear_ibuf [dreg:s11], $0x2FFFF;
	_ =	strace $0x9FFFFFFF  }
0xcb: {  	(tm) =	ssettm $0x7FFFFFFF  }
tec
execute0_lowered:
.L_overlay_start_1:
0x0: {  	(tag) =	ssettag $0x1  }
0x1: {  	s0 =	rddreg [dreg:$0x0]  }
0x2: {  	s8 =	rddreg [dreg:$0x1]  }
0x3: {  	s9 =	rddreg [dreg:$0x2]  }
0x4: {  	s10 =	rddreg [dreg:$0x3]  }
0x5: {  	s11 =	rddreg [dreg:$0x4]  }
0x6: {  	s4 =	rddreg [dreg:$0x5]  }
0x7: {  	s2 =	rddreg [dreg:$0x6];
	s5 =	srdreg.scid;
	s3 =	simm.s32 $0x0  }
0x8: {  	s1 =	stileid.u32;
	s28 =	simm.s32 $0x6000;
	s29 =	simm.s32 $0xA080  }
0x9: {  	s30 =	simm.s32 $0x80;
	s31 =	simm.s32 $0x4;
	s5 =	sand.u32 $0x1, s5  }
0xa: {  	[smem:$0x7FF] =	sst s3;
	s6 =	smul.u32 $0xC00, s1;
	s13 =	sshll.u32 s1, $0xB  }
0xb: {  	s14 =	sshll.u32 s1, $0x4;
	s19 =	sshll.u32 s1, $0xD;
	s20 =	sshll.u32 s1, $0xA  }
0xc: {  	s23 =	sadd.s32 $0x186800, s9;
	s24 =	sadd.s32 $0x30D0, s10;
	s26 =	sor.u32 $0x300, s1  }
0xd: {  	s7 =	ssub.s32 $0x2, s5;
	_ =	strace $0x80000047;
	p0 =	seq.s32 s5, $0x1  }
0xe: {  	s5 =	sadd.s32 s8, s14;
	s8 =	sadd.s32 $0x30D0, s8;
	[dreg:$0xd] =	wrdreg s23  }
0xf: {  	s14 =	sadd.s32 s10, s14;
	[dreg:$0xe] =	wrdreg s24;
	p1 =	sgt.u32 s26, $0x30C  }
0x10: {  	s23 =	simm.s32 $0xA000;
	s24 =	simm.s32 $0xA100;
	s26 =	simm.s32 $0x1  }
0x11: {  	s10 =	simm.s32 $0xB180;
	s12 =	sshrl.u32 s7, $0x1;
	s15 =	sadd.s32 s6, s4  }
0x12: {  	s4 =	sadd.s32 s0, s13;
	s6 =	sadd.s32 s19, s2;
	s0 =	sadd.s32 $0x186800, s0  }
0x13: {  	[dreg:$0x9] =	wrdreg s8;
	s13 =	sadd.s32 s9, s13;
	p2 =	sne.s32 @p1 s1, $0xF  }
0x14: {  	s12 =	ssub.s32 s7, s12;
	s7 =	sadd.s32 $0x1000, s6;
	[dreg:$0x8] =	wrdreg s0  }
0x15: {  	s21 =	sadd.s32 $0x400, s15;
	s0 =	sadd.s32 s11, s20;
	s22 =	sadd.s32 $0x500, s15  }
.Ltmp0:
0x16: {  	s25 =	sadd.s32 $0x480, s15;
	[dreg:$0xa] =	wrdreg s21;
	(pc) =	sbr.rel .LBB2_1-.Ltmp0, $4  }
0x17: {  	s16 =	sadd.s32 $0x10000, s4;
	s20 =	sor.u32 $0x10, s1;
	[dreg:$0xb] =	wrdreg s0  }
0x18: {  	p2 =	por p2, !p1;
	s11 =	simm.s32 $0x0;
	[dreg:$0xc] =	wrdreg s22  }
0x19: {  	[dreg:$0xf] =	wrdreg s25;
	s18 =	smax.u32 s12, $0x1;
	s21 =	sadd.s32 $0x10000, s13  }
0x1a: {  	v0 =	vimm.f32 $0.0e+00;
	s22 =	simm.s32 $0x2000;
	s25 =	simm.s32 $0x3;
	s0 =	simm.s32 $0x2  }
.LBB2_11:
0x1b: {  	[sflag:s25] =	ssyncset.done $0x0;
	s8 =	simm.s32 @!p2 $0x0  }
0x1c: {  	s9 =	simm.s32 @!p2 $0xA100;
	s12 =	rddreg [dreg:$0xd];
	[sflag:s25] =	ssyncadd.s32 $0xFFFFC000  }
0x1d: {  	[tilespmem:s9], [sflag:$0x3] =	stream.linear.gather @!p2 [hbm4b:s12+s8], $0x1000, $0x38;
	[tilespmem:$0xD180] =	vst v63  }
0x1e: {  	s12 =	simm.s32 @!p2 $0x3  }
0x1f: {  	_ =	swait.ge @!p2 [sflag:s12], $0x1000  }
0x20: {  	[sflag:s12] =	ssyncset.done @!p2 $0x0  }
0x21: {  	s15 =	simm.s32 @!p2 $0xB100;
	s17 =	rddreg [dreg:$0xe];
	[sflag:s12] =	ssyncadd.s32 @!p2 $0xFFFFF000  }
0x22: {  	[tilespmem:s15], [sflag:$0x3] =	stream.linear.gather @!p2 [hbm4b:s17+s8], $0x20, $0x38;
	[tilespmem:$0xD180] =	vst v63  }
0x23: {  	_ =	swait.ge @!p2 [sflag:s12], $0x20  }
0x24: {  	[sflag:s12] =	ssyncset.done @!p2 $0x0  }
0x25: {  	s8 =	simm.s32 @!p2 $0x20;
	[sflag:s12] =	ssyncadd.s32 @!p2 $0xFFFFFFE0  }
0x26: {  	[spmem:s2] =	stream.indirect.scatter.add.f32 @!p2 [tilespmem:s9], [sflag:$0x3], $0x80, s15, s8, $0xb8;
	[tilespmem:$0xD180] =	vst v63  }
0x27: {  	_ =	swait.ge @!p2 [sflag:s12], $0x1000  }
0x28: {  	[sflag:s12] =	ssyncset.done @!p2 $0x0  }
0x29: {  	s8 =	simm.s32 @!p1 $0x1;
	[sflag:s12] =	ssyncadd.s32 @!p2 $0xFFFFF000  }
0x2a: {  	_ =	swait.ge @!p1 [sflag:s8], $0x4000  }
0x2b: {  	[sflag:s8] =	ssyncset.done @!p1 $0x0  }
0x2c: {  	[sflag:s8] =	ssyncadd.s32 @!p1 $0xFFFFC000  }
0x2d: {  	_ =	swait.ge @!p1 [sflag:s8], $0x80  }
0x2e: {  	s9 =	simm.s32 @!p1 $0xA000;
	[sflag:s8] =	ssyncset.done @!p1 $0x0  }
0x2f: {  	s12 =	simm.s32 @!p1 $0x2000;
	[sflag:s8] =	ssyncadd.s32 @!p1 $0xFFFFFF80;
	s8 =	simm.s32 @!p1 $0x80  }
0x30: {  	[spmem:s2] =	stream.indirect.scatter.add.f32 @!p1 [tilespmem:s12], [sflag:$0x4], $0x80, s9, s8, $0xb8;
	[tilespmem:$0xD180] =	vst v63  }
0x31: {  	s8 =	simm.s32 @!p1 $0x4  }
0x32: {  	_ =	swait.ge @!p1 [sflag:s8], $0x4000  }
0x33: {  	[sflag:s8] =	ssyncset.done @!p1 $0x0  }
0x34: {  	s19 =	simm.s32 $0x180;
	[sflag:s8] =	ssyncadd.s32 @!p1 $0xFFFFC000  }
0x35: {  	s17 =	simm.s32 $0x8;
	s9 =	sshll.u32 s1, $0x6;
	[bflag:$0x0] =	sbarrier.arrive $0xFFFF  }
0x36: {  	s12 =	sshrl.u32 s6, $0x3;
	s8 =	sor.u32 $0x1C03, s9;
	s15 =	rddreg [dreg:$0xf]  }
0x37: {  	[hbm:s15@s19], [sflag:s8] =	dma.strided [spmem:s12@s30], $0x400, s17, $0x10   }
0x38: {  	_ =	swait.ge [sflag:s25], $0x400  }
0x39: {  	[sflag:s25] =	ssyncset.done $0x0  }
0x3a: {  	[sflag:s25] =	ssyncadd.s32 $0xFFFFFC00  }
.LBB2_12:
0x3b: {  	s11 =	sadd.s32 $0x1, s11  }
0x3c: {  	p3 =	sne.s32 s11, s18  }
.Ltmp1:
0x3d: {  	_ = 	snop;
	(pc) =	sbr.rel @!p3 .LBB2_13-.Ltmp1, $1  }
0x3e: {  	_ =	sdelay $0x3  }
.LBB2_1:
.Ltmp2:
0x3f: {  	(pc) =	sbr.rel @!p0 .LBB2_2-.Ltmp2, $1  }
0x40: {  	_ =	sdelay $0x3  }
0x41: {  	s8 =	simm.s32 $0x0  }
0x42: {  	[tilespmem:s22], [sflag:$0x1] =	stream.linear.gather [hbm4b:s13+s8], $0x4000, $0x38;
	[tilespmem:$0xD180] =	vst v63  }
0x43: {  	s12 =	simm.s32 $0x0;
	s15 =	simm.s32 $0x200  }
0x44: {  	[tilespmem:s23], [sflag:$0x1] =	stream.linear.gather [hbm4b:s14+s8], $0x80, $0x38;
	[tilespmem:$0xD180] =	vst v63  }
.LBB2_8:
0x45: {  	p3 =	sne.s32 s15, $0x3E00;
	[tilespmem:s12+$0xA170] =	vst v0  }
0x46: {  	[tilespmem:s12+$0xA100] =	vst v0  }
0x47: {  	[tilespmem:s12+$0xA110] =	vst v0  }
.Ltmp3:
0x48: {  	[tilespmem:s12+$0xA120] =	vst v0;
	(pc) =	sbr.rel @p3 .LBB2_8-.Ltmp3, $4  }
0x49: {  	[tilespmem:s12+$0xA130] =	vst v0  }
0x4a: {  	[tilespmem:s12+$0xA140] =	vst v0  }
0x4b: {  	[tilespmem:s12+$0xA150] =	vst v0  }
0x4c: {  	[tilespmem:s12+$0xA160] =	vst v0;
	s12 =	sshra.s32 s15, $0x2;
	s15 =	sadd.s32 $0x200, s15  }
0x4d: {  	[tilespmem:s12+$0xA170] =	vst v0  }
0x4e: {  	[tilespmem:s12+$0xA100] =	vst v0  }
0x4f: {  	[tilespmem:s12+$0xA110] =	vst v0  }
0x50: {  	[tilespmem:s12+$0xA120] =	vst v0  }
0x51: {  	[tilespmem:s12+$0xA130] =	vst v0  }
0x52: {  	[tilespmem:s12+$0xA140] =	vst v0  }
0x53: {  	[tilespmem:s12+$0xA150] =	vst v0  }
0x54: {  	[tilespmem:s12+$0xA160] =	vst v0  }
0x55: {  	[spmem:s6] =	stream.linear.scatter [tilespmem:s24], [sflag:$0x3], $0x1000, $0x38;
	[tilespmem:$0xD180] =	vst v63  }
0x56: {  	_ =	swait.ge [sflag:s25], $0x1000  }
0x57: {  	[sflag:s25] =	ssyncset.done $0x0  }
0x58: {  	[sflag:s25] =	ssyncadd.s32 $0xFFFFF000  }
0x59: {  	[spmem:s7] =	stream.linear.scatter [tilespmem:s24], [sflag:$0x3], $0x1000, $0x38;
	[tilespmem:$0xD180] =	vst v63  }
0x5a: {  	_ =	swait.ge [sflag:s25], $0x1000  }
0x5b: {  	[sflag:s25] =	ssyncset.done $0x0  }
0x5c: {  	[sflag:s25] =	ssyncadd.s32 $0xFFFFF000  }
0x5d: {  	[bflag:$0x0] =	sbarrier.arrive $0xFFFF  }
0x5e: {  	_ =	swait.ge [sflag:s26], $0x4000  }
0x5f: {  	[sflag:s26] =	ssyncset.done $0x0  }
0x60: {  	[sflag:s26] =	ssyncadd.s32 $0xFFFFC000  }
0x61: {  	_ =	swait.ge [sflag:s26], $0x80  }
0x62: {  	[sflag:s26] =	ssyncset.done $0x0  }
0x63: {  	s8 =	sadd.s32 $0xFFFF8000, s21;
	s9 =	sadd.s32 $0x0, s14;
	[sflag:s26] =	ssyncadd.s32 $0xFFFFFF80  }
0x64: {  	[tilespmem:s28], [sflag:$0x2] =	stream.linear.gather [hbm4b:s8+s3], $0x4000, $0x38;
	[tilespmem:$0xD180] =	vst v63  }
0x65: {  	s19 =	sadd.s32 $0x100, s9  }
0x66: {  	[tilespmem:s29], [sflag:$0x2] =	stream.linear.gather [hbm4b:s19+s3], $0x80, $0x38;
	[tilespmem:$0xD180] =	vst v63  }
0x67: {  	_ = 	snop  }
0x68: {  	[spmem:s2] =	stream.indirect.scatter.add.f32 [tilespmem:s22], [sflag:$0x4], $0x80, s23, s30, $0xb8;
	[tilespmem:$0xD180] =	vst v63  }
0x69: {  	_ =	swait.ge [sflag:s31], $0x4000  }
0x6a: {  	[sflag:s31] =	ssyncset.done $0x0  }
0x6b: {  	[sflag:s31] =	ssyncadd.s32 $0xFFFFC000  }
0x6c: {  	_ =	swait.ge [sflag:s0], $0x4000  }
0x6d: {  	[sflag:s0] =	ssyncset.done $0x0  }
0x6e: {  	[sflag:s0] =	ssyncadd.s32 $0xFFFFC000  }
0x6f: {  	_ =	swait.ge [sflag:s0], $0x80  }
0x70: {  	p3 =	sgt.u32 s20, $0x2FC;
	[sflag:s0] =	ssyncset.done $0x0  }
0x71: {  	s9 =	simm.s32 @!p3 $0x2000;
	s8 =	simm.s32 @!p3 $0x0;
	[sflag:s0] =	ssyncadd.s32 $0xFFFFFF80  }
0x72: {  	[tilespmem:s9], [sflag:$0x1] =	stream.linear.gather @!p3 [hbm4b:s21+s8], $0x4000, $0x38;
	[tilespmem:$0xD180] =	vst v63  }
0x73: {  	s9 =	sadd.s32 @!p3 $0x0, s14  }
0x74: {  	s12 =	simm.s32 @!p3 $0xA000;
	s9 =	sadd.s32 @!p3 $0x200, s9  }
0x75: {  	[tilespmem:s12], [sflag:$0x1] =	stream.linear.gather @!p3 [hbm4b:s9+s8], $0x80, $0x38;
	[tilespmem:$0xD180] =	vst v63  }
0x76: {  	s15 =	sadd.s32 $0x20, s20  }
0x77: {  	[spmem:s2] =	stream.indirect.scatter.add.f32 [tilespmem:s28], [sflag:$0x3], $0x80, s29, s30, $0xb8;
	[tilespmem:$0xD180] =	vst v63  }
0x78: {  	s19 =	smov.u32 s21;
	s12 =	simm.s32 $0x200;
	_ =	swait.ge [sflag:s25], $0x4000  }
.LBB2_10:
0x79: {  	[sflag:s25] =	ssyncset.done $0x0  }
0x7a: {  	s19 =	sadd.s32 $0x10000, s19;
	s8 =	smov.u32 s12;
	s12 =	sadd.s32 $0x200, s12  }
0x7b: {  	p3 =	sne.s32 s12, $0x3000;
	[sflag:s25] =	ssyncadd.s32 $0xFFFFC000  }
0x7c: {  	_ =	swait.ge [sflag:s26], $0x4000  }
0x7d: {  	[sflag:s26] =	ssyncset.done $0x0  }
0x7e: {  	[sflag:s26] =	ssyncadd.s32 $0xFFFFC000  }
0x7f: {  	_ =	swait.ge [sflag:s26], $0x80  }
0x80: {  	[sflag:s26] =	ssyncset.done $0x0  }
0x81: {  	s9 =	sadd.s32 $0xFFFF8000, s19;
	s17 =	sadd.s32 s8, s14;
	[sflag:s26] =	ssyncadd.s32 $0xFFFFFF80  }
0x82: {  	[tilespmem:s28], [sflag:$0x2] =	stream.linear.gather [hbm4b:s9+s3], $0x4000, $0x38;
	[tilespmem:$0xD180] =	vst v63  }
0x83: {  	s9 =	sadd.s32 $0x100, s17  }
0x84: {  	[tilespmem:s29], [sflag:$0x2] =	stream.linear.gather [hbm4b:s9+s3], $0x80, $0x38;
	[tilespmem:$0xD180] =	vst v63  }
0x85: {  	_ = 	snop  }
0x86: {  	[spmem:s2] =	stream.indirect.scatter.add.f32 [tilespmem:s22], [sflag:$0x4], $0x80, s23, s30, $0xb8;
	[tilespmem:$0xD180] =	vst v63  }
0x87: {  	_ =	swait.ge [sflag:s31], $0x4000  }
0x88: {  	[sflag:s31] =	ssyncset.done $0x0  }
0x89: {  	[sflag:s31] =	ssyncadd.s32 $0xFFFFC000  }
0x8a: {  	_ =	swait.ge [sflag:s0], $0x4000  }
0x8b: {  	[sflag:s0] =	ssyncset.done $0x0  }
0x8c: {  	[sflag:s0] =	ssyncadd.s32 $0xFFFFC000  }
0x8d: {  	_ =	swait.ge [sflag:s0], $0x80  }
0x8e: {  	p4 =	sgt.u32 s15, $0x2FC;
	[sflag:s0] =	ssyncset.done $0x0  }
0x8f: {  	s17 =	simm.s32 @!p4 $0x2000;
	s9 =	simm.s32 @!p4 $0x0;
	[sflag:s0] =	ssyncadd.s32 $0xFFFFFF80  }
0x90: {  	[tilespmem:s17], [sflag:$0x1] =	stream.linear.gather @!p4 [hbm4b:s19+s9], $0x4000, $0x38;
	[tilespmem:$0xD180] =	vst v63  }
0x91: {  	s8 =	sadd.s32 @!p4 s8, s14;
	s17 =	simm.s32 @!p4 $0xA000  }
.Ltmp4:
0x92: {  	s8 =	sadd.s32 @!p4 $0x200, s8;
	(pc) =	sbr.rel @p3 .LBB2_10-.Ltmp4, $4  }
0x93: {  	[tilespmem:s17], [sflag:$0x1] =	stream.linear.gather @!p4 [hbm4b:s8+s9], $0x80, $0x38;
	[tilespmem:$0xD180] =	vst v63  }
0x94: {  	_ = 	snop  }
0x95: {  	[spmem:s2] =	stream.indirect.scatter.add.f32 [tilespmem:s28], [sflag:$0x3], $0x80, s29, s30, $0xb8;
	[tilespmem:$0xD180] =	vst v63  }
0x96: {  	s15 =	sadd.s32 $0x20, s15;
	_ =	swait.ge [sflag:s25], $0x4000  }
.Ltmp5:
0x97: {  	_ = 	snop;
	(pc) =	sbr.rel .LBB2_11-.Ltmp5, $1  }
0x98: {  	_ =	sdelay $0x3  }
.LBB2_2:
0x99: {  	s12 =	simm.s32 $0x0  }
0x9a: {  	[tilespmem:s22], [sflag:$0x1] =	stream.linear.gather [hbm4b:s4+s12], $0x4000, $0x38;
	[tilespmem:$0xD180] =	vst v63  }
0x9b: {  	_ = 	snop  }
0x9c: {  	[tilespmem:s23], [sflag:$0x1] =	stream.linear.gather [hbm4b:s5+s12], $0x80, $0x38;
	[tilespmem:$0xD180] =	vst v63  }
0x9d: {  	s15 =	simm.s32 $0x200;
	s12 =	simm.s32 $0x0  }
.LBB2_3:
0x9e: {  	p3 =	sne.s32 s15, $0x3E00;
	[tilespmem:s12+$0xA170] =	vst v0  }
0x9f: {  	[tilespmem:s12+$0xA100] =	vst v0  }
0xa0: {  	[tilespmem:s12+$0xA110] =	vst v0  }
.Ltmp6:
0xa1: {  	[tilespmem:s12+$0xA120] =	vst v0;
	(pc) =	sbr.rel @p3 .LBB2_3-.Ltmp6, $4  }
0xa2: {  	[tilespmem:s12+$0xA130] =	vst v0  }
0xa3: {  	[tilespmem:s12+$0xA140] =	vst v0  }
0xa4: {  	[tilespmem:s12+$0xA150] =	vst v0  }
0xa5: {  	[tilespmem:s12+$0xA160] =	vst v0;
	s12 =	sshra.s32 s15, $0x2;
	s15 =	sadd.s32 $0x200, s15  }
0xa6: {  	[tilespmem:s12+$0xA170] =	vst v0  }
0xa7: {  	[tilespmem:s12+$0xA100] =	vst v0  }
0xa8: {  	[tilespmem:s12+$0xA110] =	vst v0  }
0xa9: {  	[tilespmem:s12+$0xA120] =	vst v0  }
0xaa: {  	[tilespmem:s12+$0xA130] =	vst v0  }
0xab: {  	[tilespmem:s12+$0xA140] =	vst v0  }
0xac: {  	[tilespmem:s12+$0xA150] =	vst v0  }
0xad: {  	[tilespmem:s12+$0xA160] =	vst v0  }
0xae: {  	[spmem:s6] =	stream.linear.scatter [tilespmem:s24], [sflag:$0x3], $0x1000, $0x38;
	[tilespmem:$0xD180] =	vst v63  }
0xaf: {  	_ =	swait.ge [sflag:s25], $0x1000  }
0xb0: {  	[sflag:s25] =	ssyncset.done $0x0  }
0xb1: {  	[sflag:s25] =	ssyncadd.s32 $0xFFFFF000  }
0xb2: {  	[spmem:s7] =	stream.linear.scatter [tilespmem:s24], [sflag:$0x3], $0x1000, $0x38;
	[tilespmem:$0xD180] =	vst v63  }
0xb3: {  	_ =	swait.ge [sflag:s25], $0x1000  }
0xb4: {  	[sflag:s25] =	ssyncset.done $0x0  }
0xb5: {  	[sflag:s25] =	ssyncadd.s32 $0xFFFFF000  }
0xb6: {  	[bflag:$0x0] =	sbarrier.arrive $0xFFFF  }
0xb7: {  	_ =	swait.ge [sflag:s26], $0x4000  }
0xb8: {  	[sflag:s26] =	ssyncset.done $0x0  }
0xb9: {  	[sflag:s26] =	ssyncadd.s32 $0xFFFFC000  }
0xba: {  	_ =	swait.ge [sflag:s26], $0x80  }
0xbb: {  	[sflag:s26] =	ssyncset.done $0x0  }
0xbc: {  	s17 =	sadd.s32 $0xFFFF8000, s16;
	s15 =	sadd.s32 $0x0, s5;
	[sflag:s26] =	ssyncadd.s32 $0xFFFFFF80  }
0xbd: {  	[tilespmem:s28], [sflag:$0x2] =	stream.linear.gather [hbm4b:s17+s3], $0x4000, $0x38;
	[tilespmem:$0xD180] =	vst v63  }
0xbe: {  	s19 =	sadd.s32 $0x100, s15  }
0xbf: {  	[tilespmem:s29], [sflag:$0x2] =	stream.linear.gather [hbm4b:s19+s3], $0x80, $0x38;
	[tilespmem:$0xD180] =	vst v63  }
0xc0: {  	_ = 	snop  }
0xc1: {  	[spmem:s2] =	stream.indirect.scatter.add.f32 [tilespmem:s22], [sflag:$0x4], $0x80, s23, s30, $0xb8;
	[tilespmem:$0xD180] =	vst v63  }
0xc2: {  	_ =	swait.ge [sflag:s31], $0x4000  }
0xc3: {  	[sflag:s31] =	ssyncset.done $0x0  }
0xc4: {  	[sflag:s31] =	ssyncadd.s32 $0xFFFFC000  }
0xc5: {  	_ =	swait.ge [sflag:s0], $0x4000  }
0xc6: {  	[sflag:s0] =	ssyncset.done $0x0  }
0xc7: {  	[sflag:s0] =	ssyncadd.s32 $0xFFFFC000  }
0xc8: {  	_ =	swait.ge [sflag:s0], $0x80  }
0xc9: {  	p3 =	sgt.u32 s20, $0x2FC;
	[sflag:s0] =	ssyncset.done $0x0  }
0xca: {  	s12 =	simm.s32 @!p3 $0x0;
	s15 =	simm.s32 @!p3 $0x2000;
	[sflag:s0] =	ssyncadd.s32 $0xFFFFFF80  }
0xcb: {  	[tilespmem:s15], [sflag:$0x1] =	stream.linear.gather @!p3 [hbm4b:s16+s12], $0x4000, $0x38;
	[tilespmem:$0xD180] =	vst v63  }
0xcc: {  	s15 =	sadd.s32 @!p3 $0x0, s5  }
0xcd: {  	s19 =	simm.s32 @!p3 $0xA000;
	s15 =	sadd.s32 @!p3 $0x200, s15  }
0xce: {  	[tilespmem:s19], [sflag:$0x1] =	stream.linear.gather @!p3 [hbm4b:s15+s12], $0x80, $0x38;
	[tilespmem:$0xD180] =	vst v63  }
0xcf: {  	s12 =	simm.s32 $0x200  }
0xd0: {  	[spmem:s2] =	stream.indirect.scatter.add.f32 [tilespmem:s28], [sflag:$0x3], $0x80, s29, s30, $0xb8;
	[tilespmem:$0xD180] =	vst v63  }
0xd1: {  	s15 =	sadd.s32 $0x20, s20;
	s19 =	smov.u32 s16;
	_ =	swait.ge [sflag:s25], $0x4000  }
.LBB2_5:
0xd2: {  	[sflag:s25] =	ssyncset.done $0x0  }
0xd3: {  	s19 =	sadd.s32 $0x10000, s19;
	s17 =	smov.u32 s12;
	s12 =	sadd.s32 $0x200, s12  }
0xd4: {  	p3 =	sne.s32 s12, $0x3000;
	[sflag:s25] =	ssyncadd.s32 $0xFFFFC000  }
0xd5: {  	_ =	swait.ge [sflag:s26], $0x4000  }
0xd6: {  	[sflag:s26] =	ssyncset.done $0x0  }
0xd7: {  	[sflag:s26] =	ssyncadd.s32 $0xFFFFC000  }
0xd8: {  	_ =	swait.ge [sflag:s26], $0x80  }
0xd9: {  	[sflag:s26] =	ssyncset.done $0x0  }
0xda: {  	s8 =	sadd.s32 $0xFFFF8000, s19;
	s9 =	sadd.s32 s17, s5;
	[sflag:s26] =	ssyncadd.s32 $0xFFFFFF80  }
0xdb: {  	[tilespmem:s28], [sflag:$0x2] =	stream.linear.gather [hbm4b:s8+s3], $0x4000, $0x38;
	[tilespmem:$0xD180] =	vst v63  }
0xdc: {  	s8 =	sadd.s32 $0x100, s9  }
0xdd: {  	[tilespmem:s29], [sflag:$0x2] =	stream.linear.gather [hbm4b:s8+s3], $0x80, $0x38;
	[tilespmem:$0xD180] =	vst v63  }
0xde: {  	_ = 	snop  }
0xdf: {  	[spmem:s2] =	stream.indirect.scatter.add.f32 [tilespmem:s22], [sflag:$0x4], $0x80, s23, s30, $0xb8;
	[tilespmem:$0xD180] =	vst v63  }
0xe0: {  	_ =	swait.ge [sflag:s31], $0x4000  }
0xe1: {  	[sflag:s31] =	ssyncset.done $0x0  }
0xe2: {  	[sflag:s31] =	ssyncadd.s32 $0xFFFFC000  }
0xe3: {  	_ =	swait.ge [sflag:s0], $0x4000  }
0xe4: {  	[sflag:s0] =	ssyncset.done $0x0  }
0xe5: {  	[sflag:s0] =	ssyncadd.s32 $0xFFFFC000  }
0xe6: {  	_ =	swait.ge [sflag:s0], $0x80  }
0xe7: {  	p4 =	sgt.u32 s15, $0x2FC;
	[sflag:s0] =	ssyncset.done $0x0  }
0xe8: {  	s9 =	simm.s32 @!p4 $0x2000;
	s8 =	simm.s32 @!p4 $0x0;
	[sflag:s0] =	ssyncadd.s32 $0xFFFFFF80  }
0xe9: {  	[tilespmem:s9], [sflag:$0x1] =	stream.linear.gather @!p4 [hbm4b:s19+s8], $0x4000, $0x38;
	[tilespmem:$0xD180] =	vst v63  }
0xea: {  	s9 =	sadd.s32 @!p4 s17, s5;
	s17 =	simm.s32 @!p4 $0xA000  }
.Ltmp7:
0xeb: {  	s9 =	sadd.s32 @!p4 $0x200, s9;
	(pc) =	sbr.rel @p3 .LBB2_5-.Ltmp7, $4  }
0xec: {  	[tilespmem:s17], [sflag:$0x1] =	stream.linear.gather @!p4 [hbm4b:s9+s8], $0x80, $0x38;
	[tilespmem:$0xD180] =	vst v63  }
0xed: {  	_ = 	snop  }
0xee: {  	[spmem:s2] =	stream.indirect.scatter.add.f32 [tilespmem:s28], [sflag:$0x3], $0x80, s29, s30, $0xb8;
	[tilespmem:$0xD180] =	vst v63  }
0xef: {  	s15 =	sadd.s32 $0x20, s15;
	_ =	swait.ge [sflag:s25], $0x4000  }
0xf0: {  	[sflag:s25] =	ssyncset.done $0x0;
	s8 =	simm.s32 @!p2 $0x0  }
0xf1: {  	s9 =	simm.s32 @!p2 $0xA100;
	s12 =	rddreg [dreg:$0x8];
	[sflag:s25] =	ssyncadd.s32 $0xFFFFC000  }
0xf2: {  	[tilespmem:s9], [sflag:$0x3] =	stream.linear.gather @!p2 [hbm4b:s12+s8], $0x1000, $0x38;
	[tilespmem:$0xD180] =	vst v63  }
0xf3: {  	s12 =	simm.s32 @!p2 $0x3  }
0xf4: {  	_ =	swait.ge @!p2 [sflag:s12], $0x1000  }
0xf5: {  	[sflag:s12] =	ssyncset.done @!p2 $0x0  }
0xf6: {  	s15 =	simm.s32 @!p2 $0xB100;
	s17 =	rddreg [dreg:$0x9];
	[sflag:s12] =	ssyncadd.s32 @!p2 $0xFFFFF000  }
0xf7: {  	[tilespmem:s15], [sflag:$0x3] =	stream.linear.gather @!p2 [hbm4b:s17+s8], $0x20, $0x38;
	[tilespmem:$0xD180] =	vst v63  }
0xf8: {  	_ =	swait.ge @!p2 [sflag:s12], $0x20  }
0xf9: {  	[sflag:s12] =	ssyncset.done @!p2 $0x0  }
0xfa: {  	s8 =	simm.s32 @!p2 $0x20;
	[sflag:s12] =	ssyncadd.s32 @!p2 $0xFFFFFFE0  }
0xfb: {  	[spmem:s2] =	stream.indirect.scatter.add.f32 @!p2 [tilespmem:s9], [sflag:$0x3], $0x80, s15, s8, $0xb8;
	[tilespmem:$0xD180] =	vst v63  }
0xfc: {  	_ =	swait.ge @!p2 [sflag:s12], $0x1000  }
0xfd: {  	[sflag:s12] =	ssyncset.done @!p2 $0x0  }
0xfe: {  	s8 =	simm.s32 @!p1 $0x1;
	[sflag:s12] =	ssyncadd.s32 @!p2 $0xFFFFF000  }
0xff: {  	_ =	swait.ge @!p1 [sflag:s8], $0x4000  }
0x100: {  	[sflag:s8] =	ssyncset.done @!p1 $0x0  }
0x101: {  	[sflag:s8] =	ssyncadd.s32 @!p1 $0xFFFFC000  }
0x102: {  	_ =	swait.ge @!p1 [sflag:s8], $0x80  }
0x103: {  	s9 =	simm.s32 @!p1 $0xA000;
	[sflag:s8] =	ssyncset.done @!p1 $0x0  }
0x104: {  	s12 =	simm.s32 @!p1 $0x2000;
	[sflag:s8] =	ssyncadd.s32 @!p1 $0xFFFFFF80;
	s8 =	simm.s32 @!p1 $0x80  }
0x105: {  	[spmem:s2] =	stream.indirect.scatter.add.f32 @!p1 [tilespmem:s12], [sflag:$0x4], $0x80, s9, s8, $0xb8;
	[tilespmem:$0xD180] =	vst v63  }
0x106: {  	s8 =	simm.s32 @!p1 $0x4  }
0x107: {  	_ =	swait.ge @!p1 [sflag:s8], $0x4000  }
0x108: {  	[sflag:s8] =	ssyncset.done @!p1 $0x0  }
0x109: {  	s19 =	simm.s32 $0x180;
	[sflag:s8] =	ssyncadd.s32 @!p1 $0xFFFFC000  }
0x10a: {  	s17 =	simm.s32 $0x8;
	s9 =	sshll.u32 s1, $0x6;
	[bflag:$0x0] =	sbarrier.arrive $0xFFFF  }
0x10b: {  	s12 =	sshrl.u32 s6, $0x3;
	s8 =	sor.u32 $0x1C03, s9;
	s15 =	rddreg [dreg:$0xa]  }
0x10c: {  	[hbm:s15@s19], [sflag:s8] =	dma.strided [spmem:s12@s30], $0x400, s17, $0x10   }
0x10d: {  	_ =	swait.ge [sflag:s25], $0x400  }
0x10e: {  	[sflag:s25] =	ssyncset.done $0x0  }
0x10f: {  	s12 =	rddreg [dreg:$0xb];
	[sflag:s25] =	ssyncadd.s32 $0xFFFFFC00  }
0x110: {  	[tilespmem:s10], [sflag:$0x3] =	stream.linear.gather [hbm4b:s12+s3], $0x2000, $0x38;
	[tilespmem:$0xD180] =	vst v63  }
0x111: {  	_ =	swait.ge [sflag:s25], $0x2000  }
0x112: {  	s17 =	simm.s32 $0x400;
	s19 =	simm.s32 $0xC00;
	[sflag:s25] =	ssyncset.done $0x0  }
.Ltmp8:
0x113: {  	s15 =	rddreg [dreg:$0xc];
	[sflag:s25] =	ssyncadd.s32 $0xFFFFE000;
	(pc) =	sbr.rel .LBB2_12-.Ltmp8, $4  }
0x114: {  	[hbm4b:s15+s17] =	stream.strided.scatter [tilespmem:s10], [sflag:$0x3], $0x2000, s19, s17, $0x38;
	[tilespmem:$0xD180] =	vst v63  }
0x115: {  	_ =	swait.ge [sflag:s25], $0x2000  }
0x116: {  	[sflag:s25] =	ssyncset.done $0x0  }
0x117: {  	[sflag:s25] =	ssyncadd.s32 $0xFFFFE000  }
.LBB2_13:
0x118: {  	_ =	sfence.sel $0x180000  }
0x119: {  	[bflag:$0x0] =	sbarrier.arrive $0xFFFF  }
0x11a: {  	_ =	strace $0x90000047  }
0x11b: {  	[bflag:$0x2] =	sbarrier.arrive $0xFFFF  }
0x11c: {  	p0 =	sne.s32 s1, $0x0;
	s0 =	rddreg [dreg:$0x7]  }
0x11d: {  	s0 =	sadd.s32 @!p0 $0x100000, s0  }
0x11e: {  	[sflag:s0] =	ssyncadd.tile.s32 @!p0 $0x1;
	_ =	shalt  }
.Lfunc_end2:
_tile_overlayer_lowered:
.L_overlay_start_2:
0x11f: {  	(tag) =	ssettag $0x2  }
0x120: {  	s0 =	rddreg [dreg:$0x0];
	s2 =	stileid.u32  }
0x121: {  	s1 =	rddreg [dreg:$0x1];
	p0 =	sne.s32 s2, $0x0  }
0x122: {  	s3 =	rddreg [dreg:$0x2];
	[bflag:$0x3] =	sbarrier.arrive $0xFFFF;
	s2 =	simm.s32 @!p0 $0x1C03  }
0x123: {  	[timem:s3], [sflag:s2] =	dma.local @!p0 [hbm:s0], s1  }
0x124: {  	s0 =	simm.s32 @!p0 $0x3  }
0x125: {  	_ =	swait.ge @!p0 [sflag:s0], s1  }
0x126: {  	s1 =	ssub.s32 @!p0 $0x0, s1;
	[sflag:s0] =	ssyncset.done @!p0 $0x0  }
0x127: {  	[sflag:s0] =	ssyncadd.s32 @!p0 s1  }
0x128: {  	[bflag:$0x3] =	sbarrier.arrive $0xFFFF  }
0x129: {  	_ =	shalt  }

</sc_bundles>
